<compile_context>
chip_gen: v7x
topology: tpu7x:2x2x1
jax: 0.10.2.dev20260603
libtpu: 0.0.44.dev20260713+nightly
codegen_flags: <defaults>
</compile_context>

<pallas_src>
import functools

import jax
import jax.numpy as jnp
from jax import lax
from jax.experimental import pallas as pl
from jax.experimental.pallas import tpu as pltpu
from jax.experimental.pallas import tpu_sc as plsc

D_MODEL = 64
NUM_CORES = 2
NUM_SUBCORES = 16
NUM_WORKERS = NUM_CORES * NUM_SUBCORES
NBUF = 8
LA = 4


def _gather_rows(weight, token_ids):
    n_b, n_t = token_ids.shape
    rows_per_w = n_b // NUM_WORKERS
    n_groups = rows_per_w // NBUF
    mesh = plsc.VectorSubcoreMesh(core_axis_name="c", subcore_axis_name="s")

    @functools.partial(
        pl.kernel,
        mesh=mesh,
        out_type=jax.ShapeDtypeStruct((n_b, n_t, D_MODEL), jnp.float32),
        scratch_types=[
            pltpu.VMEM((rows_per_w, n_t), jnp.int32),
            *[pltpu.VMEM((n_t, D_MODEL), jnp.float32) for _ in range(NBUF)],
            *[pltpu.SemaphoreType.DMA for _ in range(2 * NBUF)],
        ],
        compiler_params=pltpu.CompilerParams(use_tc_tiling_on_sc=False),
    )
    def k(table_hbm, idx_hbm, out_hbm, idx_v, *bufs_and_sems):
        rows = bufs_and_sems[:NBUF]
        gsems = bufs_and_sems[NBUF:2 * NBUF]
        ssems = bufs_and_sems[2 * NBUF:]
        wid = lax.axis_index("s") * NUM_CORES + lax.axis_index("c")
        base = wid * rows_per_w

        pltpu.sync_copy(idx_hbm.at[pl.ds(base, rows_per_w)], idx_v)

        def gather_start(c, b):
            pltpu.async_copy(table_hbm.at[idx_v.at[c]], rows[b], gsems[b])

        def gather_wait(b):
            pltpu.make_async_copy(table_hbm.at[idx_v.at[0]], rows[b], gsems[b]).wait()

        def store_start(c, b):
            pltpu.async_copy(rows[b], out_hbm.at[base + c], ssems[b])

        def store_wait(b):
            pltpu.make_async_copy(rows[b], out_hbm.at[base], ssems[b]).wait()

        for j in range(LA):
            gather_start(j, j)

        for j in range(NBUF):
            if j >= NBUF - LA:
                store_wait((j + LA) % NBUF)
            gather_start(j + LA, (j + LA) % NBUF)
            gather_wait(j)
            store_start(j, j)

        def body(g, carry):
            for j in range(NBUF):
                c = g * NBUF + j
                store_wait((j + LA) % NBUF)
                gather_start(c + LA, (j + LA) % NBUF)
                gather_wait(j)
                store_start(c, j)
            return carry

        lax.fori_loop(1, n_groups - 1, body, 0)

        for j in range(NBUF):
            c = (n_groups - 1) * NBUF + j
            if c + LA < rows_per_w:
                store_wait((j + LA) % NBUF)
                gather_start(c + LA, (j + LA) % NBUF)
            gather_wait(j)
            store_start(c, j)

        for j in range(NBUF):
            store_wait(j)

    return k(weight, token_ids)


def kernel(token_ids, weight):
    return _gather_rows(weight, token_ids.astype(jnp.int32))

# --- scband reference (transcript-rebuilt; emitter-appended) ---
"""Pipeline reference for scband-token-embedding-56040733278273 (READ-ONLY COPY).

The authoritative reference and input builder live on the scoring server;
editing this copy changes nothing except your own understanding.
"""

import jax, jax.numpy as jnp
import numpy as np
import math

VOCAB_SIZE = 1000000
D_MODEL = 64

def setup_inputs(seed: int = 0) -> dict:
    key = jax.random.key(seed)
    k_idx, k_w = jax.random.split(key)
    token_ids = jax.random.randint(k_idx, (4096, 200), 0, VOCAB_SIZE, dtype=jnp.int64 if jax.config.jax_enable_x64 else jnp.int32)
    bound = 1.0 / math.sqrt(D_MODEL)
    weight = jax.random.uniform(k_w, (VOCAB_SIZE, D_MODEL), dtype=jnp.float32, minval=-bound, maxval=bound)
    return {"token_ids": token_ids, "weight": weight}

def reference(token_ids, weight):
    # Embedding lookup: (B, T) -> (B, T, C)
    return jnp.take(weight, token_ids, axis=0)

if __name__ == "__main__":
    import jax
    _d = setup_inputs()
    print(jax.jit(kernel)(*tuple(_d.values())))

</pallas_src>

<mosaic_0001>
#map = affine_map<(d0, d1) -> (0, 0)>
#map1 = affine_map<(d0, d1) -> (0, 0, 0)>
module attributes {stable_mosaic.version = 14 : i64} {
  func.func @k(%arg0: i32, %arg1: i32, %arg2: memref<1000000x64xf32, #tpu.memory_space<hbm>>, %arg3: memref<4096x200xi32, #tpu.memory_space<hbm>>, %arg4: memref<4096x200x64xf32, #tpu.memory_space<hbm>>, %arg5: memref<128x200xi32, #tpu.memory_space<vmem>>, %arg6: memref<200x64xf32, #tpu.memory_space<vmem>>, %arg7: memref<200x64xf32, #tpu.memory_space<vmem>>, %arg8: memref<200x64xf32, #tpu.memory_space<vmem>>, %arg9: memref<200x64xf32, #tpu.memory_space<vmem>>, %arg10: memref<200x64xf32, #tpu.memory_space<vmem>>, %arg11: memref<200x64xf32, #tpu.memory_space<vmem>>, %arg12: memref<200x64xf32, #tpu.memory_space<vmem>>, %arg13: memref<200x64xf32, #tpu.memory_space<vmem>>, %arg14: memref<!tpu.dma_semaphore, #tpu.memory_space<semaphore_mem>>, %arg15: memref<!tpu.dma_semaphore, #tpu.memory_space<semaphore_mem>>, %arg16: memref<!tpu.dma_semaphore, #tpu.memory_space<semaphore_mem>>, %arg17: memref<!tpu.dma_semaphore, #tpu.memory_space<semaphore_mem>>, %arg18: memref<!tpu.dma_semaphore, #tpu.memory_space<semaphore_mem>>, %arg19: memref<!tpu.dma_semaphore, #tpu.memory_space<semaphore_mem>>, %arg20: memref<!tpu.dma_semaphore, #tpu.memory_space<semaphore_mem>>, %arg21: memref<!tpu.dma_semaphore, #tpu.memory_space<semaphore_mem>>, %arg22: memref<!tpu.dma_semaphore, #tpu.memory_space<semaphore_mem>>, %arg23: memref<!tpu.dma_semaphore, #tpu.memory_space<semaphore_mem>>, %arg24: memref<!tpu.dma_semaphore, #tpu.memory_space<semaphore_mem>>, %arg25: memref<!tpu.dma_semaphore, #tpu.memory_space<semaphore_mem>>, %arg26: memref<!tpu.dma_semaphore, #tpu.memory_space<semaphore_mem>>, %arg27: memref<!tpu.dma_semaphore, #tpu.memory_space<semaphore_mem>>, %arg28: memref<!tpu.dma_semaphore, #tpu.memory_space<semaphore_mem>>, %arg29: memref<!tpu.dma_semaphore, #tpu.memory_space<semaphore_mem>>) attributes {dimension_semantics = [#tpu.dimension_semantics<core_parallel>, #tpu.dimension_semantics<subcore_parallel>], iteration_bounds = array<i64: 2, 16>, scalar_prefetch = 0 : i64, scratch_operands = 25 : i64, tpu.core_type = #tpu.core_type<sc_vector_subcore>, window_params = [{transform_indices = #map}, {transform_indices = #map}, {transform_indices = #map1}]} {
    %mul3A = arith.constant 2 : i32
    %mul3A_0 = arith.muli %arg1, %mul3A : i32
    %add3A = arith.addi %mul3A_0, %arg0 : i32
    %mul3A_1 = arith.constant 128 : i32
    %mul3A_2 = arith.muli %add3A, %mul3A_1 : i32
    "tpu.region"() ({
      %run_scoped3A = tpu.sem_alloc : memref<!tpu.dma_semaphore, #tpu.memory_space<semaphore_mem>>
      %dma_start3A_518 = arith.constant 0 : i32
      %dma_start3A_519 = tpu.memref_slice %arg3[%mul3A_2, %dma_start3A_518] : memref<4096x200xi32, #tpu.memory_space<hbm>> -> memref<128x200xi32, #tpu.memory_space<hbm>>
      %dma_start3A_520 = arith.constant 0 : i32
      %dma_start3A_521 = tpu.memref_slice %arg3[%mul3A_2, %dma_start3A_520] : memref<4096x200xi32, #tpu.memory_space<hbm>> -> memref<128x200xi32, #tpu.memory_space<hbm>>
      tpu.enqueue_dma source(%dma_start3A_521 : memref<128x200xi32, #tpu.memory_space<hbm>>) target(%arg5 : memref<128x200xi32, #tpu.memory_space<vmem>>) target_semaphore(%run_scoped3A : memref<!tpu.dma_semaphore, #tpu.memory_space<semaphore_mem>>)
      %dma_wait3A_522 = arith.constant 0 : i32
      %dma_wait3A_523 = tpu.memref_slice %arg3[%mul3A_2, %dma_wait3A_522] : memref<4096x200xi32, #tpu.memory_space<hbm>> -> memref<128x200xi32, #tpu.memory_space<hbm>>
      %dma_wait3A_524 = arith.constant 0 : i32
      %dma_wait3A_525 = tpu.memref_slice %arg3[%mul3A_2, %dma_wait3A_524] : memref<4096x200xi32, #tpu.memory_space<hbm>> -> memref<128x200xi32, #tpu.memory_space<hbm>>
      tpu.wait_dma2 semaphore(%run_scoped3A : memref<!tpu.dma_semaphore, #tpu.memory_space<semaphore_mem>>) src(%dma_wait3A_525 : memref<128x200xi32, #tpu.memory_space<hbm>>) dst(%arg5 : memref<128x200xi32, #tpu.memory_space<vmem>>)
      tpu.yield
    }) : () -> ()
    %dma_start3A = arith.constant 0 : i32
    %dma_start3A_3 = arith.constant 0 : i32
    %dma_start3A_4 = tpu.memref_slice %arg5[%dma_start3A, %dma_start3A_3] : memref<128x200xi32, #tpu.memory_space<vmem>> -> memref<1x200xi32, #tpu.memory_space<vmem>>
    %dma_start3A_5 = tpu.memref_squeeze %dma_start3A_4 : memref<1x200xi32, #tpu.memory_space<vmem>> -> memref<200xi32, #tpu.memory_space<vmem>>
    %dma_start3A_6 = arith.constant 0 : i32
    %dma_start3A_7 = arith.constant 0 : i32
    %dma_start3A_8 = tpu.memref_slice %arg2[%dma_start3A_6, %dma_start3A_7] : memref<1000000x64xf32, #tpu.memory_space<hbm>> -> memref<1000000x64xf32, #tpu.memory_space<hbm>>
    tpu.enqueue_indirect_dma source(%dma_start3A_8 : memref<1000000x64xf32, #tpu.memory_space<hbm>>) target(%arg6 : memref<200x64xf32, #tpu.memory_space<vmem>>) offsets(%dma_start3A_5 : memref<200xi32, #tpu.memory_space<vmem>>) semaphore(%arg14 : memref<!tpu.dma_semaphore, #tpu.memory_space<semaphore_mem>>)
    %dma_start3A_9 = arith.constant 1 : i32
    %dma_start3A_10 = arith.constant 0 : i32
    %dma_start3A_11 = tpu.memref_slice %arg5[%dma_start3A_9, %dma_start3A_10] : memref<128x200xi32, #tpu.memory_space<vmem>> -> memref<1x200xi32, #tpu.memory_space<vmem>>
    %dma_start3A_12 = tpu.memref_squeeze %dma_start3A_11 : memref<1x200xi32, #tpu.memory_space<vmem>> -> memref<200xi32, #tpu.memory_space<vmem>>
    %dma_start3A_13 = arith.constant 0 : i32
    %dma_start3A_14 = arith.constant 0 : i32
    %dma_start3A_15 = tpu.memref_slice %arg2[%dma_start3A_13, %dma_start3A_14] : memref<1000000x64xf32, #tpu.memory_space<hbm>> -> memref<1000000x64xf32, #tpu.memory_space<hbm>>
    tpu.enqueue_indirect_dma source(%dma_start3A_15 : memref<1000000x64xf32, #tpu.memory_space<hbm>>) target(%arg7 : memref<200x64xf32, #tpu.memory_space<vmem>>) offsets(%dma_start3A_12 : memref<200xi32, #tpu.memory_space<vmem>>) semaphore(%arg15 : memref<!tpu.dma_semaphore, #tpu.memory_space<semaphore_mem>>)
    %dma_start3A_16 = arith.constant 2 : i32
    %dma_start3A_17 = arith.constant 0 : i32
    %dma_start3A_18 = tpu.memref_slice %arg5[%dma_start3A_16, %dma_start3A_17] : memref<128x200xi32, #tpu.memory_space<vmem>> -> memref<1x200xi32, #tpu.memory_space<vmem>>
    %dma_start3A_19 = tpu.memref_squeeze %dma_start3A_18 : memref<1x200xi32, #tpu.memory_space<vmem>> -> memref<200xi32, #tpu.memory_space<vmem>>
    %dma_start3A_20 = arith.constant 0 : i32
    %dma_start3A_21 = arith.constant 0 : i32
    %dma_start3A_22 = tpu.memref_slice %arg2[%dma_start3A_20, %dma_start3A_21] : memref<1000000x64xf32, #tpu.memory_space<hbm>> -> memref<1000000x64xf32, #tpu.memory_space<hbm>>
    tpu.enqueue_indirect_dma source(%dma_start3A_22 : memref<1000000x64xf32, #tpu.memory_space<hbm>>) target(%arg8 : memref<200x64xf32, #tpu.memory_space<vmem>>) offsets(%dma_start3A_19 : memref<200xi32, #tpu.memory_space<vmem>>) semaphore(%arg16 : memref<!tpu.dma_semaphore, #tpu.memory_space<semaphore_mem>>)
    %dma_start3A_23 = arith.constant 3 : i32
    %dma_start3A_24 = arith.constant 0 : i32
    %dma_start3A_25 = tpu.memref_slice %arg5[%dma_start3A_23, %dma_start3A_24] : memref<128x200xi32, #tpu.memory_space<vmem>> -> memref<1x200xi32, #tpu.memory_space<vmem>>
    %dma_start3A_26 = tpu.memref_squeeze %dma_start3A_25 : memref<1x200xi32, #tpu.memory_space<vmem>> -> memref<200xi32, #tpu.memory_space<vmem>>
    %dma_start3A_27 = arith.constant 0 : i32
    %dma_start3A_28 = arith.constant 0 : i32
    %dma_start3A_29 = tpu.memref_slice %arg2[%dma_start3A_27, %dma_start3A_28] : memref<1000000x64xf32, #tpu.memory_space<hbm>> -> memref<1000000x64xf32, #tpu.memory_space<hbm>>
    tpu.enqueue_indirect_dma source(%dma_start3A_29 : memref<1000000x64xf32, #tpu.memory_space<hbm>>) target(%arg9 : memref<200x64xf32, #tpu.memory_space<vmem>>) offsets(%dma_start3A_26 : memref<200xi32, #tpu.memory_space<vmem>>) semaphore(%arg17 : memref<!tpu.dma_semaphore, #tpu.memory_space<semaphore_mem>>)
    %dma_start3A_30 = arith.constant 4 : i32
    %dma_start3A_31 = arith.constant 0 : i32
    %dma_start3A_32 = tpu.memref_slice %arg5[%dma_start3A_30, %dma_start3A_31] : memref<128x200xi32, #tpu.memory_space<vmem>> -> memref<1x200xi32, #tpu.memory_space<vmem>>
    %dma_start3A_33 = tpu.memref_squeeze %dma_start3A_32 : memref<1x200xi32, #tpu.memory_space<vmem>> -> memref<200xi32, #tpu.memory_space<vmem>>
    %dma_start3A_34 = arith.constant 0 : i32
    %dma_start3A_35 = arith.constant 0 : i32
    %dma_start3A_36 = tpu.memref_slice %arg2[%dma_start3A_34, %dma_start3A_35] : memref<1000000x64xf32, #tpu.memory_space<hbm>> -> memref<1000000x64xf32, #tpu.memory_space<hbm>>
    tpu.enqueue_indirect_dma source(%dma_start3A_36 : memref<1000000x64xf32, #tpu.memory_space<hbm>>) target(%arg10 : memref<200x64xf32, #tpu.memory_space<vmem>>) offsets(%dma_start3A_33 : memref<200xi32, #tpu.memory_space<vmem>>) semaphore(%arg18 : memref<!tpu.dma_semaphore, #tpu.memory_space<semaphore_mem>>)
    %dma_wait3A = arith.constant 0 : i32
    %dma_wait3A_37 = arith.constant 0 : i32
    %dma_wait3A_38 = tpu.memref_slice %arg5[%dma_wait3A, %dma_wait3A_37] : memref<128x200xi32, #tpu.memory_space<vmem>> -> memref<1x200xi32, #tpu.memory_space<vmem>>
    %dma_wait3A_39 = tpu.memref_squeeze %dma_wait3A_38 : memref<1x200xi32, #tpu.memory_space<vmem>> -> memref<200xi32, #tpu.memory_space<vmem>>
    %dma_wait3A_40 = arith.constant 0 : i32
    %dma_wait3A_41 = arith.constant 0 : i32
    %dma_wait3A_42 = tpu.memref_slice %arg2[%dma_wait3A_40, %dma_wait3A_41] : memref<1000000x64xf32, #tpu.memory_space<hbm>> -> memref<1000000x64xf32, #tpu.memory_space<hbm>>
    tpu.wait_indirect_dma semaphore(%arg14 : memref<!tpu.dma_semaphore, #tpu.memory_space<semaphore_mem>>) src(%dma_wait3A_42 : memref<1000000x64xf32, #tpu.memory_space<hbm>>) dst(%arg6 : memref<200x64xf32, #tpu.memory_space<vmem>>)
    %add3A_43 = arith.constant 0 : i32
    %add3A_44 = arith.addi %mul3A_2, %add3A_43 : i32
    %dma_start3A_45 = arith.constant 0 : i32
    %dma_start3A_46 = arith.constant 0 : i32
    %dma_start3A_47 = tpu.memref_slice %arg4[%add3A_44, %dma_start3A_45, %dma_start3A_46] : memref<4096x200x64xf32, #tpu.memory_space<hbm>> -> memref<1x200x64xf32, #tpu.memory_space<hbm>>
    %dma_start3A_48 = tpu.memref_squeeze %dma_start3A_47 : memref<1x200x64xf32, #tpu.memory_space<hbm>> -> memref<200x64xf32, #tpu.memory_space<hbm>>
    %dma_start3A_49 = arith.constant 0 : i32
    %dma_start3A_50 = arith.constant 0 : i32
    %dma_start3A_51 = tpu.memref_slice %arg4[%add3A_44, %dma_start3A_49, %dma_start3A_50] : memref<4096x200x64xf32, #tpu.memory_space<hbm>> -> memref<1x200x64xf32, #tpu.memory_space<hbm>>
    %dma_start3A_52 = tpu.memref_squeeze %dma_start3A_51 : memref<1x200x64xf32, #tpu.memory_space<hbm>> -> memref<200x64xf32, #tpu.memory_space<hbm>>
    tpu.enqueue_dma source(%arg6 : memref<200x64xf32, #tpu.memory_space<vmem>>) target(%dma_start3A_52 : memref<200x64xf32, #tpu.memory_space<hbm>>) target_semaphore(%arg22 : memref<!tpu.dma_semaphore, #tpu.memory_space<semaphore_mem>>)
    %dma_start3A_53 = arith.constant 5 : i32
    %dma_start3A_54 = arith.constant 0 : i32
    %dma_start3A_55 = tpu.memref_slice %arg5[%dma_start3A_53, %dma_start3A_54] : memref<128x200xi32, #tpu.memory_space<vmem>> -> memref<1x200xi32, #tpu.memory_space<vmem>>
    %dma_start3A_56 = tpu.memref_squeeze %dma_start3A_55 : memref<1x200xi32, #tpu.memory_space<vmem>> -> memref<200xi32, #tpu.memory_space<vmem>>
    %dma_start3A_57 = arith.constant 0 : i32
    %dma_start3A_58 = arith.constant 0 : i32
    %dma_start3A_59 = tpu.memref_slice %arg2[%dma_start3A_57, %dma_start3A_58] : memref<1000000x64xf32, #tpu.memory_space<hbm>> -> memref<1000000x64xf32, #tpu.memory_space<hbm>>
    tpu.enqueue_indirect_dma source(%dma_start3A_59 : memref<1000000x64xf32, #tpu.memory_space<hbm>>) target(%arg11 : memref<200x64xf32, #tpu.memory_space<vmem>>) offsets(%dma_start3A_56 : memref<200xi32, #tpu.memory_space<vmem>>) semaphore(%arg19 : memref<!tpu.dma_semaphore, #tpu.memory_space<semaphore_mem>>)
    %dma_wait3A_60 = arith.constant 0 : i32
    %dma_wait3A_61 = arith.constant 0 : i32
    %dma_wait3A_62 = tpu.memref_slice %arg5[%dma_wait3A_60, %dma_wait3A_61] : memref<128x200xi32, #tpu.memory_space<vmem>> -> memref<1x200xi32, #tpu.memory_space<vmem>>
    %dma_wait3A_63 = tpu.memref_squeeze %dma_wait3A_62 : memref<1x200xi32, #tpu.memory_space<vmem>> -> memref<200xi32, #tpu.memory_space<vmem>>
    %dma_wait3A_64 = arith.constant 0 : i32
    %dma_wait3A_65 = arith.constant 0 : i32
    %dma_wait3A_66 = tpu.memref_slice %arg2[%dma_wait3A_64, %dma_wait3A_65] : memref<1000000x64xf32, #tpu.memory_space<hbm>> -> memref<1000000x64xf32, #tpu.memory_space<hbm>>
    tpu.wait_indirect_dma semaphore(%arg15 : memref<!tpu.dma_semaphore, #tpu.memory_space<semaphore_mem>>) src(%dma_wait3A_66 : memref<1000000x64xf32, #tpu.memory_space<hbm>>) dst(%arg7 : memref<200x64xf32, #tpu.memory_space<vmem>>)
    %add3A_67 = arith.constant 1 : i32
    %add3A_68 = arith.addi %mul3A_2, %add3A_67 : i32
    %dma_start3A_69 = arith.constant 0 : i32
    %dma_start3A_70 = arith.constant 0 : i32
    %dma_start3A_71 = tpu.memref_slice %arg4[%add3A_68, %dma_start3A_69, %dma_start3A_70] : memref<4096x200x64xf32, #tpu.memory_space<hbm>> -> memref<1x200x64xf32, #tpu.memory_space<hbm>>
    %dma_start3A_72 = tpu.memref_squeeze %dma_start3A_71 : memref<1x200x64xf32, #tpu.memory_space<hbm>> -> memref<200x64xf32, #tpu.memory_space<hbm>>
    %dma_start3A_73 = arith.constant 0 : i32
    %dma_start3A_74 = arith.constant 0 : i32
    %dma_start3A_75 = tpu.memref_slice %arg4[%add3A_68, %dma_start3A_73, %dma_start3A_74] : memref<4096x200x64xf32, #tpu.memory_space<hbm>> -> memref<1x200x64xf32, #tpu.memory_space<hbm>>
    %dma_start3A_76 = tpu.memref_squeeze %dma_start3A_75 : memref<1x200x64xf32, #tpu.memory_space<hbm>> -> memref<200x64xf32, #tpu.memory_space<hbm>>
    tpu.enqueue_dma source(%arg7 : memref<200x64xf32, #tpu.memory_space<vmem>>) target(%dma_start3A_76 : memref<200x64xf32, #tpu.memory_space<hbm>>) target_semaphore(%arg23 : memref<!tpu.dma_semaphore, #tpu.memory_space<semaphore_mem>>)
    %dma_start3A_77 = arith.constant 6 : i32
    %dma_start3A_78 = arith.constant 0 : i32
    %dma_start3A_79 = tpu.memref_slice %arg5[%dma_start3A_77, %dma_start3A_78] : memref<128x200xi32, #tpu.memory_space<vmem>> -> memref<1x200xi32, #tpu.memory_space<vmem>>
    %dma_start3A_80 = tpu.memref_squeeze %dma_start3A_79 : memref<1x200xi32, #tpu.memory_space<vmem>> -> memref<200xi32, #tpu.memory_space<vmem>>
    %dma_start3A_81 = arith.constant 0 : i32
    %dma_start3A_82 = arith.constant 0 : i32
    %dma_start3A_83 = tpu.memref_slice %arg2[%dma_start3A_81, %dma_start3A_82] : memref<1000000x64xf32, #tpu.memory_space<hbm>> -> memref<1000000x64xf32, #tpu.memory_space<hbm>>
    tpu.enqueue_indirect_dma source(%dma_start3A_83 : memref<1000000x64xf32, #tpu.memory_space<hbm>>) target(%arg12 : memref<200x64xf32, #tpu.memory_space<vmem>>) offsets(%dma_start3A_80 : memref<200xi32, #tpu.memory_space<vmem>>) semaphore(%arg20 : memref<!tpu.dma_semaphore, #tpu.memory_space<semaphore_mem>>)
    %dma_wait3A_84 = arith.constant 0 : i32
    %dma_wait3A_85 = arith.constant 0 : i32
    %dma_wait3A_86 = tpu.memref_slice %arg5[%dma_wait3A_84, %dma_wait3A_85] : memref<128x200xi32, #tpu.memory_space<vmem>> -> memref<1x200xi32, #tpu.memory_space<vmem>>
    %dma_wait3A_87 = tpu.memref_squeeze %dma_wait3A_86 : memref<1x200xi32, #tpu.memory_space<vmem>> -> memref<200xi32, #tpu.memory_space<vmem>>
    %dma_wait3A_88 = arith.constant 0 : i32
    %dma_wait3A_89 = arith.constant 0 : i32
    %dma_wait3A_90 = tpu.memref_slice %arg2[%dma_wait3A_88, %dma_wait3A_89] : memref<1000000x64xf32, #tpu.memory_space<hbm>> -> memref<1000000x64xf32, #tpu.memory_space<hbm>>
    tpu.wait_indirect_dma semaphore(%arg16 : memref<!tpu.dma_semaphore, #tpu.memory_space<semaphore_mem>>) src(%dma_wait3A_90 : memref<1000000x64xf32, #tpu.memory_space<hbm>>) dst(%arg8 : memref<200x64xf32, #tpu.memory_space<vmem>>)
    %add3A_91 = arith.constant 2 : i32
    %add3A_92 = arith.addi %mul3A_2, %add3A_91 : i32
    %dma_start3A_93 = arith.constant 0 : i32
    %dma_start3A_94 = arith.constant 0 : i32
    %dma_start3A_95 = tpu.memref_slice %arg4[%add3A_92, %dma_start3A_93, %dma_start3A_94] : memref<4096x200x64xf32, #tpu.memory_space<hbm>> -> memref<1x200x64xf32, #tpu.memory_space<hbm>>
    %dma_start3A_96 = tpu.memref_squeeze %dma_start3A_95 : memref<1x200x64xf32, #tpu.memory_space<hbm>> -> memref<200x64xf32, #tpu.memory_space<hbm>>
    %dma_start3A_97 = arith.constant 0 : i32
    %dma_start3A_98 = arith.constant 0 : i32
    %dma_start3A_99 = tpu.memref_slice %arg4[%add3A_92, %dma_start3A_97, %dma_start3A_98] : memref<4096x200x64xf32, #tpu.memory_space<hbm>> -> memref<1x200x64xf32, #tpu.memory_space<hbm>>
    %dma_start3A_100 = tpu.memref_squeeze %dma_start3A_99 : memref<1x200x64xf32, #tpu.memory_space<hbm>> -> memref<200x64xf32, #tpu.memory_space<hbm>>
    tpu.enqueue_dma source(%arg8 : memref<200x64xf32, #tpu.memory_space<vmem>>) target(%dma_start3A_100 : memref<200x64xf32, #tpu.memory_space<hbm>>) target_semaphore(%arg24 : memref<!tpu.dma_semaphore, #tpu.memory_space<semaphore_mem>>)
    %dma_start3A_101 = arith.constant 7 : i32
    %dma_start3A_102 = arith.constant 0 : i32
    %dma_start3A_103 = tpu.memref_slice %arg5[%dma_start3A_101, %dma_start3A_102] : memref<128x200xi32, #tpu.memory_space<vmem>> -> memref<1x200xi32, #tpu.memory_space<vmem>>
    %dma_start3A_104 = tpu.memref_squeeze %dma_start3A_103 : memref<1x200xi32, #tpu.memory_space<vmem>> -> memref<200xi32, #tpu.memory_space<vmem>>
    %dma_start3A_105 = arith.constant 0 : i32
    %dma_start3A_106 = arith.constant 0 : i32
    %dma_start3A_107 = tpu.memref_slice %arg2[%dma_start3A_105, %dma_start3A_106] : memref<1000000x64xf32, #tpu.memory_space<hbm>> -> memref<1000000x64xf32, #tpu.memory_space<hbm>>
    tpu.enqueue_indirect_dma source(%dma_start3A_107 : memref<1000000x64xf32, #tpu.memory_space<hbm>>) target(%arg13 : memref<200x64xf32, #tpu.memory_space<vmem>>) offsets(%dma_start3A_104 : memref<200xi32, #tpu.memory_space<vmem>>) semaphore(%arg21 : memref<!tpu.dma_semaphore, #tpu.memory_space<semaphore_mem>>)
    %dma_wait3A_108 = arith.constant 0 : i32
    %dma_wait3A_109 = arith.constant 0 : i32
    %dma_wait3A_110 = tpu.memref_slice %arg5[%dma_wait3A_108, %dma_wait3A_109] : memref<128x200xi32, #tpu.memory_space<vmem>> -> memref<1x200xi32, #tpu.memory_space<vmem>>
    %dma_wait3A_111 = tpu.memref_squeeze %dma_wait3A_110 : memref<1x200xi32, #tpu.memory_space<vmem>> -> memref<200xi32, #tpu.memory_space<vmem>>
    %dma_wait3A_112 = arith.constant 0 : i32
    %dma_wait3A_113 = arith.constant 0 : i32
    %dma_wait3A_114 = tpu.memref_slice %arg2[%dma_wait3A_112, %dma_wait3A_113] : memref<1000000x64xf32, #tpu.memory_space<hbm>> -> memref<1000000x64xf32, #tpu.memory_space<hbm>>
    tpu.wait_indirect_dma semaphore(%arg17 : memref<!tpu.dma_semaphore, #tpu.memory_space<semaphore_mem>>) src(%dma_wait3A_114 : memref<1000000x64xf32, #tpu.memory_space<hbm>>) dst(%arg9 : memref<200x64xf32, #tpu.memory_space<vmem>>)
    %add3A_115 = arith.constant 3 : i32
    %add3A_116 = arith.addi %mul3A_2, %add3A_115 : i32
    %dma_start3A_117 = arith.constant 0 : i32
    %dma_start3A_118 = arith.constant 0 : i32
    %dma_start3A_119 = tpu.memref_slice %arg4[%add3A_116, %dma_start3A_117, %dma_start3A_118] : memref<4096x200x64xf32, #tpu.memory_space<hbm>> -> memref<1x200x64xf32, #tpu.memory_space<hbm>>
    %dma_start3A_120 = tpu.memref_squeeze %dma_start3A_119 : memref<1x200x64xf32, #tpu.memory_space<hbm>> -> memref<200x64xf32, #tpu.memory_space<hbm>>
    %dma_start3A_121 = arith.constant 0 : i32
    %dma_start3A_122 = arith.constant 0 : i32
    %dma_start3A_123 = tpu.memref_slice %arg4[%add3A_116, %dma_start3A_121, %dma_start3A_122] : memref<4096x200x64xf32, #tpu.memory_space<hbm>> -> memref<1x200x64xf32, #tpu.memory_space<hbm>>
    %dma_start3A_124 = tpu.memref_squeeze %dma_start3A_123 : memref<1x200x64xf32, #tpu.memory_space<hbm>> -> memref<200x64xf32, #tpu.memory_space<hbm>>
    tpu.enqueue_dma source(%arg9 : memref<200x64xf32, #tpu.memory_space<vmem>>) target(%dma_start3A_124 : memref<200x64xf32, #tpu.memory_space<hbm>>) target_semaphore(%arg25 : memref<!tpu.dma_semaphore, #tpu.memory_space<semaphore_mem>>)
    %dma_wait3A_125 = arith.constant 0 : i32
    %dma_wait3A_126 = arith.constant 0 : i32
    %dma_wait3A_127 = tpu.memref_slice %arg4[%mul3A_2, %dma_wait3A_125, %dma_wait3A_126] : memref<4096x200x64xf32, #tpu.memory_space<hbm>> -> memref<1x200x64xf32, #tpu.memory_space<hbm>>
    %dma_wait3A_128 = tpu.memref_squeeze %dma_wait3A_127 : memref<1x200x64xf32, #tpu.memory_space<hbm>> -> memref<200x64xf32, #tpu.memory_space<hbm>>
    %dma_wait3A_129 = arith.constant 0 : i32
    %dma_wait3A_130 = arith.constant 0 : i32
    %dma_wait3A_131 = tpu.memref_slice %arg4[%mul3A_2, %dma_wait3A_129, %dma_wait3A_130] : memref<4096x200x64xf32, #tpu.memory_space<hbm>> -> memref<1x200x64xf32, #tpu.memory_space<hbm>>
    %dma_wait3A_132 = tpu.memref_squeeze %dma_wait3A_131 : memref<1x200x64xf32, #tpu.memory_space<hbm>> -> memref<200x64xf32, #tpu.memory_space<hbm>>
    tpu.wait_dma2 semaphore(%arg22 : memref<!tpu.dma_semaphore, #tpu.memory_space<semaphore_mem>>) src(%arg6 : memref<200x64xf32, #tpu.memory_space<vmem>>) dst(%dma_wait3A_132 : memref<200x64xf32, #tpu.memory_space<hbm>>)
    %dma_start3A_133 = arith.constant 8 : i32
    %dma_start3A_134 = arith.constant 0 : i32
    %dma_start3A_135 = tpu.memref_slice %arg5[%dma_start3A_133, %dma_start3A_134] : memref<128x200xi32, #tpu.memory_space<vmem>> -> memref<1x200xi32, #tpu.memory_space<vmem>>
    %dma_start3A_136 = tpu.memref_squeeze %dma_start3A_135 : memref<1x200xi32, #tpu.memory_space<vmem>> -> memref<200xi32, #tpu.memory_space<vmem>>
    %dma_start3A_137 = arith.constant 0 : i32
    %dma_start3A_138 = arith.constant 0 : i32
    %dma_start3A_139 = tpu.memref_slice %arg2[%dma_start3A_137, %dma_start3A_138] : memref<1000000x64xf32, #tpu.memory_space<hbm>> -> memref<1000000x64xf32, #tpu.memory_space<hbm>>
    tpu.enqueue_indirect_dma source(%dma_start3A_139 : memref<1000000x64xf32, #tpu.memory_space<hbm>>) target(%arg6 : memref<200x64xf32, #tpu.memory_space<vmem>>) offsets(%dma_start3A_136 : memref<200xi32, #tpu.memory_space<vmem>>) semaphore(%arg14 : memref<!tpu.dma_semaphore, #tpu.memory_space<semaphore_mem>>)
    %dma_wait3A_140 = arith.constant 0 : i32
    %dma_wait3A_141 = arith.constant 0 : i32
    %dma_wait3A_142 = tpu.memref_slice %arg5[%dma_wait3A_140, %dma_wait3A_141] : memref<128x200xi32, #tpu.memory_space<vmem>> -> memref<1x200xi32, #tpu.memory_space<vmem>>
    %dma_wait3A_143 = tpu.memref_squeeze %dma_wait3A_142 : memref<1x200xi32, #tpu.memory_space<vmem>> -> memref<200xi32, #tpu.memory_space<vmem>>
    %dma_wait3A_144 = arith.constant 0 : i32
    %dma_wait3A_145 = arith.constant 0 : i32
    %dma_wait3A_146 = tpu.memref_slice %arg2[%dma_wait3A_144, %dma_wait3A_145] : memref<1000000x64xf32, #tpu.memory_space<hbm>> -> memref<1000000x64xf32, #tpu.memory_space<hbm>>
    tpu.wait_indirect_dma semaphore(%arg18 : memref<!tpu.dma_semaphore, #tpu.memory_space<semaphore_mem>>) src(%dma_wait3A_146 : memref<1000000x64xf32, #tpu.memory_space<hbm>>) dst(%arg10 : memref<200x64xf32, #tpu.memory_space<vmem>>)
    %add3A_147 = arith.constant 4 : i32
    %add3A_148 = arith.addi %mul3A_2, %add3A_147 : i32
    %dma_start3A_149 = arith.constant 0 : i32
    %dma_start3A_150 = arith.constant 0 : i32
    %dma_start3A_151 = tpu.memref_slice %arg4[%add3A_148, %dma_start3A_149, %dma_start3A_150] : memref<4096x200x64xf32, #tpu.memory_space<hbm>> -> memref<1x200x64xf32, #tpu.memory_space<hbm>>
    %dma_start3A_152 = tpu.memref_squeeze %dma_start3A_151 : memref<1x200x64xf32, #tpu.memory_space<hbm>> -> memref<200x64xf32, #tpu.memory_space<hbm>>
    %dma_start3A_153 = arith.constant 0 : i32
    %dma_start3A_154 = arith.constant 0 : i32
    %dma_start3A_155 = tpu.memref_slice %arg4[%add3A_148, %dma_start3A_153, %dma_start3A_154] : memref<4096x200x64xf32, #tpu.memory_space<hbm>> -> memref<1x200x64xf32, #tpu.memory_space<hbm>>
    %dma_start3A_156 = tpu.memref_squeeze %dma_start3A_155 : memref<1x200x64xf32, #tpu.memory_space<hbm>> -> memref<200x64xf32, #tpu.memory_space<hbm>>
    tpu.enqueue_dma source(%arg10 : memref<200x64xf32, #tpu.memory_space<vmem>>) target(%dma_start3A_156 : memref<200x64xf32, #tpu.memory_space<hbm>>) target_semaphore(%arg26 : memref<!tpu.dma_semaphore, #tpu.memory_space<semaphore_mem>>)
    %dma_wait3A_157 = arith.constant 0 : i32
    %dma_wait3A_158 = arith.constant 0 : i32
    %dma_wait3A_159 = tpu.memref_slice %arg4[%mul3A_2, %dma_wait3A_157, %dma_wait3A_158] : memref<4096x200x64xf32, #tpu.memory_space<hbm>> -> memref<1x200x64xf32, #tpu.memory_space<hbm>>
    %dma_wait3A_160 = tpu.memref_squeeze %dma_wait3A_159 : memref<1x200x64xf32, #tpu.memory_space<hbm>> -> memref<200x64xf32, #tpu.memory_space<hbm>>
    %dma_wait3A_161 = arith.constant 0 : i32
    %dma_wait3A_162 = arith.constant 0 : i32
    %dma_wait3A_163 = tpu.memref_slice %arg4[%mul3A_2, %dma_wait3A_161, %dma_wait3A_162] : memref<4096x200x64xf32, #tpu.memory_space<hbm>> -> memref<1x200x64xf32, #tpu.memory_space<hbm>>
    %dma_wait3A_164 = tpu.memref_squeeze %dma_wait3A_163 : memref<1x200x64xf32, #tpu.memory_space<hbm>> -> memref<200x64xf32, #tpu.memory_space<hbm>>
    tpu.wait_dma2 semaphore(%arg23 : memref<!tpu.dma_semaphore, #tpu.memory_space<semaphore_mem>>) src(%arg7 : memref<200x64xf32, #tpu.memory_space<vmem>>) dst(%dma_wait3A_164 : memref<200x64xf32, #tpu.memory_space<hbm>>)
    %dma_start3A_165 = arith.constant 9 : i32
    %dma_start3A_166 = arith.constant 0 : i32
    %dma_start3A_167 = tpu.memref_slice %arg5[%dma_start3A_165, %dma_start3A_166] : memref<128x200xi32, #tpu.memory_space<vmem>> -> memref<1x200xi32, #tpu.memory_space<vmem>>
    %dma_start3A_168 = tpu.memref_squeeze %dma_start3A_167 : memref<1x200xi32, #tpu.memory_space<vmem>> -> memref<200xi32, #tpu.memory_space<vmem>>
    %dma_start3A_169 = arith.constant 0 : i32
    %dma_start3A_170 = arith.constant 0 : i32
    %dma_start3A_171 = tpu.memref_slice %arg2[%dma_start3A_169, %dma_start3A_170] : memref<1000000x64xf32, #tpu.memory_space<hbm>> -> memref<1000000x64xf32, #tpu.memory_space<hbm>>
    tpu.enqueue_indirect_dma source(%dma_start3A_171 : memref<1000000x64xf32, #tpu.memory_space<hbm>>) target(%arg7 : memref<200x64xf32, #tpu.memory_space<vmem>>) offsets(%dma_start3A_168 : memref<200xi32, #tpu.memory_space<vmem>>) semaphore(%arg15 : memref<!tpu.dma_semaphore, #tpu.memory_space<semaphore_mem>>)
    %dma_wait3A_172 = arith.constant 0 : i32
    %dma_wait3A_173 = arith.constant 0 : i32
    %dma_wait3A_174 = tpu.memref_slice %arg5[%dma_wait3A_172, %dma_wait3A_173] : memref<128x200xi32, #tpu.memory_space<vmem>> -> memref<1x200xi32, #tpu.memory_space<vmem>>
    %dma_wait3A_175 = tpu.memref_squeeze %dma_wait3A_174 : memref<1x200xi32, #tpu.memory_space<vmem>> -> memref<200xi32, #tpu.memory_space<vmem>>
    %dma_wait3A_176 = arith.constant 0 : i32
    %dma_wait3A_177 = arith.constant 0 : i32
    %dma_wait3A_178 = tpu.memref_slice %arg2[%dma_wait3A_176, %dma_wait3A_177] : memref<1000000x64xf32, #tpu.memory_space<hbm>> -> memref<1000000x64xf32, #tpu.memory_space<hbm>>
    tpu.wait_indirect_dma semaphore(%arg19 : memref<!tpu.dma_semaphore, #tpu.memory_space<semaphore_mem>>) src(%dma_wait3A_178 : memref<1000000x64xf32, #tpu.memory_space<hbm>>) dst(%arg11 : memref<200x64xf32, #tpu.memory_space<vmem>>)
    %add3A_179 = arith.constant 5 : i32
    %add3A_180 = arith.addi %mul3A_2, %add3A_179 : i32
    %dma_start3A_181 = arith.constant 0 : i32
    %dma_start3A_182 = arith.constant 0 : i32
    %dma_start3A_183 = tpu.memref_slice %arg4[%add3A_180, %dma_start3A_181, %dma_start3A_182] : memref<4096x200x64xf32, #tpu.memory_space<hbm>> -> memref<1x200x64xf32, #tpu.memory_space<hbm>>
    %dma_start3A_184 = tpu.memref_squeeze %dma_start3A_183 : memref<1x200x64xf32, #tpu.memory_space<hbm>> -> memref<200x64xf32, #tpu.memory_space<hbm>>
    %dma_start3A_185 = arith.constant 0 : i32
    %dma_start3A_186 = arith.constant 0 : i32
    %dma_start3A_187 = tpu.memref_slice %arg4[%add3A_180, %dma_start3A_185, %dma_start3A_186] : memref<4096x200x64xf32, #tpu.memory_space<hbm>> -> memref<1x200x64xf32, #tpu.memory_space<hbm>>
    %dma_start3A_188 = tpu.memref_squeeze %dma_start3A_187 : memref<1x200x64xf32, #tpu.memory_space<hbm>> -> memref<200x64xf32, #tpu.memory_space<hbm>>
    tpu.enqueue_dma source(%arg11 : memref<200x64xf32, #tpu.memory_space<vmem>>) target(%dma_start3A_188 : memref<200x64xf32, #tpu.memory_space<hbm>>) target_semaphore(%arg27 : memref<!tpu.dma_semaphore, #tpu.memory_space<semaphore_mem>>)
    %dma_wait3A_189 = arith.constant 0 : i32
    %dma_wait3A_190 = arith.constant 0 : i32
    %dma_wait3A_191 = tpu.memref_slice %arg4[%mul3A_2, %dma_wait3A_189, %dma_wait3A_190] : memref<4096x200x64xf32, #tpu.memory_space<hbm>> -> memref<1x200x64xf32, #tpu.memory_space<hbm>>
    %dma_wait3A_192 = tpu.memref_squeeze %dma_wait3A_191 : memref<1x200x64xf32, #tpu.memory_space<hbm>> -> memref<200x64xf32, #tpu.memory_space<hbm>>
    %dma_wait3A_193 = arith.constant 0 : i32
    %dma_wait3A_194 = arith.constant 0 : i32
    %dma_wait3A_195 = tpu.memref_slice %arg4[%mul3A_2, %dma_wait3A_193, %dma_wait3A_194] : memref<4096x200x64xf32, #tpu.memory_space<hbm>> -> memref<1x200x64xf32, #tpu.memory_space<hbm>>
    %dma_wait3A_196 = tpu.memref_squeeze %dma_wait3A_195 : memref<1x200x64xf32, #tpu.memory_space<hbm>> -> memref<200x64xf32, #tpu.memory_space<hbm>>
    tpu.wait_dma2 semaphore(%arg24 : memref<!tpu.dma_semaphore, #tpu.memory_space<semaphore_mem>>) src(%arg8 : memref<200x64xf32, #tpu.memory_space<vmem>>) dst(%dma_wait3A_196 : memref<200x64xf32, #tpu.memory_space<hbm>>)
    %dma_start3A_197 = arith.constant 10 : i32
    %dma_start3A_198 = arith.constant 0 : i32
    %dma_start3A_199 = tpu.memref_slice %arg5[%dma_start3A_197, %dma_start3A_198] : memref<128x200xi32, #tpu.memory_space<vmem>> -> memref<1x200xi32, #tpu.memory_space<vmem>>
    %dma_start3A_200 = tpu.memref_squeeze %dma_start3A_199 : memref<1x200xi32, #tpu.memory_space<vmem>> -> memref<200xi32, #tpu.memory_space<vmem>>
    %dma_start3A_201 = arith.constant 0 : i32
    %dma_start3A_202 = arith.constant 0 : i32
    %dma_start3A_203 = tpu.memref_slice %arg2[%dma_start3A_201, %dma_start3A_202] : memref<1000000x64xf32, #tpu.memory_space<hbm>> -> memref<1000000x64xf32, #tpu.memory_space<hbm>>
    tpu.enqueue_indirect_dma source(%dma_start3A_203 : memref<1000000x64xf32, #tpu.memory_space<hbm>>) target(%arg8 : memref<200x64xf32, #tpu.memory_space<vmem>>) offsets(%dma_start3A_200 : memref<200xi32, #tpu.memory_space<vmem>>) semaphore(%arg16 : memref<!tpu.dma_semaphore, #tpu.memory_space<semaphore_mem>>)
    %dma_wait3A_204 = arith.constant 0 : i32
    %dma_wait3A_205 = arith.constant 0 : i32
    %dma_wait3A_206 = tpu.memref_slice %arg5[%dma_wait3A_204, %dma_wait3A_205] : memref<128x200xi32, #tpu.memory_space<vmem>> -> memref<1x200xi32, #tpu.memory_space<vmem>>
    %dma_wait3A_207 = tpu.memref_squeeze %dma_wait3A_206 : memref<1x200xi32, #tpu.memory_space<vmem>> -> memref<200xi32, #tpu.memory_space<vmem>>
    %dma_wait3A_208 = arith.constant 0 : i32
    %dma_wait3A_209 = arith.constant 0 : i32
    %dma_wait3A_210 = tpu.memref_slice %arg2[%dma_wait3A_208, %dma_wait3A_209] : memref<1000000x64xf32, #tpu.memory_space<hbm>> -> memref<1000000x64xf32, #tpu.memory_space<hbm>>
    tpu.wait_indirect_dma semaphore(%arg20 : memref<!tpu.dma_semaphore, #tpu.memory_space<semaphore_mem>>) src(%dma_wait3A_210 : memref<1000000x64xf32, #tpu.memory_space<hbm>>) dst(%arg12 : memref<200x64xf32, #tpu.memory_space<vmem>>)
    %add3A_211 = arith.constant 6 : i32
    %add3A_212 = arith.addi %mul3A_2, %add3A_211 : i32
    %dma_start3A_213 = arith.constant 0 : i32
    %dma_start3A_214 = arith.constant 0 : i32
    %dma_start3A_215 = tpu.memref_slice %arg4[%add3A_212, %dma_start3A_213, %dma_start3A_214] : memref<4096x200x64xf32, #tpu.memory_space<hbm>> -> memref<1x200x64xf32, #tpu.memory_space<hbm>>
    %dma_start3A_216 = tpu.memref_squeeze %dma_start3A_215 : memref<1x200x64xf32, #tpu.memory_space<hbm>> -> memref<200x64xf32, #tpu.memory_space<hbm>>
    %dma_start3A_217 = arith.constant 0 : i32
    %dma_start3A_218 = arith.constant 0 : i32
    %dma_start3A_219 = tpu.memref_slice %arg4[%add3A_212, %dma_start3A_217, %dma_start3A_218] : memref<4096x200x64xf32, #tpu.memory_space<hbm>> -> memref<1x200x64xf32, #tpu.memory_space<hbm>>
    %dma_start3A_220 = tpu.memref_squeeze %dma_start3A_219 : memref<1x200x64xf32, #tpu.memory_space<hbm>> -> memref<200x64xf32, #tpu.memory_space<hbm>>
    tpu.enqueue_dma source(%arg12 : memref<200x64xf32, #tpu.memory_space<vmem>>) target(%dma_start3A_220 : memref<200x64xf32, #tpu.memory_space<hbm>>) target_semaphore(%arg28 : memref<!tpu.dma_semaphore, #tpu.memory_space<semaphore_mem>>)
    %dma_wait3A_221 = arith.constant 0 : i32
    %dma_wait3A_222 = arith.constant 0 : i32
    %dma_wait3A_223 = tpu.memref_slice %arg4[%mul3A_2, %dma_wait3A_221, %dma_wait3A_222] : memref<4096x200x64xf32, #tpu.memory_space<hbm>> -> memref<1x200x64xf32, #tpu.memory_space<hbm>>
    %dma_wait3A_224 = tpu.memref_squeeze %dma_wait3A_223 : memref<1x200x64xf32, #tpu.memory_space<hbm>> -> memref<200x64xf32, #tpu.memory_space<hbm>>
    %dma_wait3A_225 = arith.constant 0 : i32
    %dma_wait3A_226 = arith.constant 0 : i32
    %dma_wait3A_227 = tpu.memref_slice %arg4[%mul3A_2, %dma_wait3A_225, %dma_wait3A_226] : memref<4096x200x64xf32, #tpu.memory_space<hbm>> -> memref<1x200x64xf32, #tpu.memory_space<hbm>>
    %dma_wait3A_228 = tpu.memref_squeeze %dma_wait3A_227 : memref<1x200x64xf32, #tpu.memory_space<hbm>> -> memref<200x64xf32, #tpu.memory_space<hbm>>
    tpu.wait_dma2 semaphore(%arg25 : memref<!tpu.dma_semaphore, #tpu.memory_space<semaphore_mem>>) src(%arg9 : memref<200x64xf32, #tpu.memory_space<vmem>>) dst(%dma_wait3A_228 : memref<200x64xf32, #tpu.memory_space<hbm>>)
    %dma_start3A_229 = arith.constant 11 : i32
    %dma_start3A_230 = arith.constant 0 : i32
    %dma_start3A_231 = tpu.memref_slice %arg5[%dma_start3A_229, %dma_start3A_230] : memref<128x200xi32, #tpu.memory_space<vmem>> -> memref<1x200xi32, #tpu.memory_space<vmem>>
    %dma_start3A_232 = tpu.memref_squeeze %dma_start3A_231 : memref<1x200xi32, #tpu.memory_space<vmem>> -> memref<200xi32, #tpu.memory_space<vmem>>
    %dma_start3A_233 = arith.constant 0 : i32
    %dma_start3A_234 = arith.constant 0 : i32
    %dma_start3A_235 = tpu.memref_slice %arg2[%dma_start3A_233, %dma_start3A_234] : memref<1000000x64xf32, #tpu.memory_space<hbm>> -> memref<1000000x64xf32, #tpu.memory_space<hbm>>
    tpu.enqueue_indirect_dma source(%dma_start3A_235 : memref<1000000x64xf32, #tpu.memory_space<hbm>>) target(%arg9 : memref<200x64xf32, #tpu.memory_space<vmem>>) offsets(%dma_start3A_232 : memref<200xi32, #tpu.memory_space<vmem>>) semaphore(%arg17 : memref<!tpu.dma_semaphore, #tpu.memory_space<semaphore_mem>>)
    %dma_wait3A_236 = arith.constant 0 : i32
    %dma_wait3A_237 = arith.constant 0 : i32
    %dma_wait3A_238 = tpu.memref_slice %arg5[%dma_wait3A_236, %dma_wait3A_237] : memref<128x200xi32, #tpu.memory_space<vmem>> -> memref<1x200xi32, #tpu.memory_space<vmem>>
    %dma_wait3A_239 = tpu.memref_squeeze %dma_wait3A_238 : memref<1x200xi32, #tpu.memory_space<vmem>> -> memref<200xi32, #tpu.memory_space<vmem>>
    %dma_wait3A_240 = arith.constant 0 : i32
    %dma_wait3A_241 = arith.constant 0 : i32
    %dma_wait3A_242 = tpu.memref_slice %arg2[%dma_wait3A_240, %dma_wait3A_241] : memref<1000000x64xf32, #tpu.memory_space<hbm>> -> memref<1000000x64xf32, #tpu.memory_space<hbm>>
    tpu.wait_indirect_dma semaphore(%arg21 : memref<!tpu.dma_semaphore, #tpu.memory_space<semaphore_mem>>) src(%dma_wait3A_242 : memref<1000000x64xf32, #tpu.memory_space<hbm>>) dst(%arg13 : memref<200x64xf32, #tpu.memory_space<vmem>>)
    %add3A_243 = arith.constant 7 : i32
    %add3A_244 = arith.addi %mul3A_2, %add3A_243 : i32
    %dma_start3A_245 = arith.constant 0 : i32
    %dma_start3A_246 = arith.constant 0 : i32
    %dma_start3A_247 = tpu.memref_slice %arg4[%add3A_244, %dma_start3A_245, %dma_start3A_246] : memref<4096x200x64xf32, #tpu.memory_space<hbm>> -> memref<1x200x64xf32, #tpu.memory_space<hbm>>
    %dma_start3A_248 = tpu.memref_squeeze %dma_start3A_247 : memref<1x200x64xf32, #tpu.memory_space<hbm>> -> memref<200x64xf32, #tpu.memory_space<hbm>>
    %dma_start3A_249 = arith.constant 0 : i32
    %dma_start3A_250 = arith.constant 0 : i32
    %dma_start3A_251 = tpu.memref_slice %arg4[%add3A_244, %dma_start3A_249, %dma_start3A_250] : memref<4096x200x64xf32, #tpu.memory_space<hbm>> -> memref<1x200x64xf32, #tpu.memory_space<hbm>>
    %dma_start3A_252 = tpu.memref_squeeze %dma_start3A_251 : memref<1x200x64xf32, #tpu.memory_space<hbm>> -> memref<200x64xf32, #tpu.memory_space<hbm>>
    tpu.enqueue_dma source(%arg13 : memref<200x64xf32, #tpu.memory_space<vmem>>) target(%dma_start3A_252 : memref<200x64xf32, #tpu.memory_space<hbm>>) target_semaphore(%arg29 : memref<!tpu.dma_semaphore, #tpu.memory_space<semaphore_mem>>)
    %scan3A = arith.constant 0 : i32
    %scan3A_253 = arith.constant 1 : i32
    %scan3A_254 = arith.constant 14 : i32
    %scan3A_255 = arith.addi %scan3A_253, %scan3A_254 : i32
    %scan3A_256 = arith.constant 1 : i32
    scf.for %scan3A_518 = %scan3A_253 to %scan3A_255 step %scan3A_256  : i32 {
      %mul3A_519 = arith.constant 8 : i32
      %mul3A_520 = arith.muli %scan3A_518, %mul3A_519 : i32
      %add3A_521 = arith.constant 0 : i32
      %add3A_522 = arith.addi %mul3A_520, %add3A_521 : i32
      %dma_wait3A_523 = arith.constant 0 : i32
      %dma_wait3A_524 = arith.constant 0 : i32
      %dma_wait3A_525 = tpu.memref_slice %arg4[%mul3A_2, %dma_wait3A_523, %dma_wait3A_524] : memref<4096x200x64xf32, #tpu.memory_space<hbm>> -> memref<1x200x64xf32, #tpu.memory_space<hbm>>
      %dma_wait3A_526 = tpu.memref_squeeze %dma_wait3A_525 : memref<1x200x64xf32, #tpu.memory_space<hbm>> -> memref<200x64xf32, #tpu.memory_space<hbm>>
      %dma_wait3A_527 = arith.constant 0 : i32
      %dma_wait3A_528 = arith.constant 0 : i32
      %dma_wait3A_529 = tpu.memref_slice %arg4[%mul3A_2, %dma_wait3A_527, %dma_wait3A_528] : memref<4096x200x64xf32, #tpu.memory_space<hbm>> -> memref<1x200x64xf32, #tpu.memory_space<hbm>>
      %dma_wait3A_530 = tpu.memref_squeeze %dma_wait3A_529 : memref<1x200x64xf32, #tpu.memory_space<hbm>> -> memref<200x64xf32, #tpu.memory_space<hbm>>
      tpu.wait_dma2 semaphore(%arg26 : memref<!tpu.dma_semaphore, #tpu.memory_space<semaphore_mem>>) src(%arg10 : memref<200x64xf32, #tpu.memory_space<vmem>>) dst(%dma_wait3A_530 : memref<200x64xf32, #tpu.memory_space<hbm>>)
      %add3A_531 = arith.constant 4 : i32
      %add3A_532 = arith.addi %add3A_522, %add3A_531 : i32
      %dma_start3A_533 = arith.constant 0 : i32
      %dma_start3A_534 = tpu.memref_slice %arg5[%add3A_532, %dma_start3A_533] : memref<128x200xi32, #tpu.memory_space<vmem>> -> memref<1x200xi32, #tpu.memory_space<vmem>>
      %dma_start3A_535 = tpu.memref_squeeze %dma_start3A_534 : memref<1x200xi32, #tpu.memory_space<vmem>> -> memref<200xi32, #tpu.memory_space<vmem>>
      %dma_start3A_536 = arith.constant 0 : i32
      %dma_start3A_537 = arith.constant 0 : i32
      %dma_start3A_538 = tpu.memref_slice %arg2[%dma_start3A_536, %dma_start3A_537] : memref<1000000x64xf32, #tpu.memory_space<hbm>> -> memref<1000000x64xf32, #tpu.memory_space<hbm>>
      tpu.enqueue_indirect_dma source(%dma_start3A_538 : memref<1000000x64xf32, #tpu.memory_space<hbm>>) target(%arg10 : memref<200x64xf32, #tpu.memory_space<vmem>>) offsets(%dma_start3A_535 : memref<200xi32, #tpu.memory_space<vmem>>) semaphore(%arg18 : memref<!tpu.dma_semaphore, #tpu.memory_space<semaphore_mem>>)
      %dma_wait3A_539 = arith.constant 0 : i32
      %dma_wait3A_540 = arith.constant 0 : i32
      %dma_wait3A_541 = tpu.memref_slice %arg5[%dma_wait3A_539, %dma_wait3A_540] : memref<128x200xi32, #tpu.memory_space<vmem>> -> memref<1x200xi32, #tpu.memory_space<vmem>>
      %dma_wait3A_542 = tpu.memref_squeeze %dma_wait3A_541 : memref<1x200xi32, #tpu.memory_space<vmem>> -> memref<200xi32, #tpu.memory_space<vmem>>
      %dma_wait3A_543 = arith.constant 0 : i32
      %dma_wait3A_544 = arith.constant 0 : i32
      %dma_wait3A_545 = tpu.memref_slice %arg2[%dma_wait3A_543, %dma_wait3A_544] : memref<1000000x64xf32, #tpu.memory_space<hbm>> -> memref<1000000x64xf32, #tpu.memory_space<hbm>>
      tpu.wait_indirect_dma semaphore(%arg14 : memref<!tpu.dma_semaphore, #tpu.memory_space<semaphore_mem>>) src(%dma_wait3A_545 : memref<1000000x64xf32, #tpu.memory_space<hbm>>) dst(%arg6 : memref<200x64xf32, #tpu.memory_space<vmem>>)
      %add3A_546 = arith.addi %mul3A_2, %add3A_522 : i32
      %dma_start3A_547 = arith.constant 0 : i32
      %dma_start3A_548 = arith.constant 0 : i32
      %dma_start3A_549 = tpu.memref_slice %arg4[%add3A_546, %dma_start3A_547, %dma_start3A_548] : memref<4096x200x64xf32, #tpu.memory_space<hbm>> -> memref<1x200x64xf32, #tpu.memory_space<hbm>>
      %dma_start3A_550 = tpu.memref_squeeze %dma_start3A_549 : memref<1x200x64xf32, #tpu.memory_space<hbm>> -> memref<200x64xf32, #tpu.memory_space<hbm>>
      %dma_start3A_551 = arith.constant 0 : i32
      %dma_start3A_552 = arith.constant 0 : i32
      %dma_start3A_553 = tpu.memref_slice %arg4[%add3A_546, %dma_start3A_551, %dma_start3A_552] : memref<4096x200x64xf32, #tpu.memory_space<hbm>> -> memref<1x200x64xf32, #tpu.memory_space<hbm>>
      %dma_start3A_554 = tpu.memref_squeeze %dma_start3A_553 : memref<1x200x64xf32, #tpu.memory_space<hbm>> -> memref<200x64xf32, #tpu.memory_space<hbm>>
      tpu.enqueue_dma source(%arg6 : memref<200x64xf32, #tpu.memory_space<vmem>>) target(%dma_start3A_554 : memref<200x64xf32, #tpu.memory_space<hbm>>) target_semaphore(%arg22 : memref<!tpu.dma_semaphore, #tpu.memory_space<semaphore_mem>>)
      %mul3A_555 = arith.constant 8 : i32
      %mul3A_556 = arith.muli %scan3A_518, %mul3A_555 : i32
      %add3A_557 = arith.constant 1 : i32
      %add3A_558 = arith.addi %mul3A_556, %add3A_557 : i32
      %dma_wait3A_559 = arith.constant 0 : i32
      %dma_wait3A_560 = arith.constant 0 : i32
      %dma_wait3A_561 = tpu.memref_slice %arg4[%mul3A_2, %dma_wait3A_559, %dma_wait3A_560] : memref<4096x200x64xf32, #tpu.memory_space<hbm>> -> memref<1x200x64xf32, #tpu.memory_space<hbm>>
      %dma_wait3A_562 = tpu.memref_squeeze %dma_wait3A_561 : memref<1x200x64xf32, #tpu.memory_space<hbm>> -> memref<200x64xf32, #tpu.memory_space<hbm>>
      %dma_wait3A_563 = arith.constant 0 : i32
      %dma_wait3A_564 = arith.constant 0 : i32
      %dma_wait3A_565 = tpu.memref_slice %arg4[%mul3A_2, %dma_wait3A_563, %dma_wait3A_564] : memref<4096x200x64xf32, #tpu.memory_space<hbm>> -> memref<1x200x64xf32, #tpu.memory_space<hbm>>
      %dma_wait3A_566 = tpu.memref_squeeze %dma_wait3A_565 : memref<1x200x64xf32, #tpu.memory_space<hbm>> -> memref<200x64xf32, #tpu.memory_space<hbm>>
      tpu.wait_dma2 semaphore(%arg27 : memref<!tpu.dma_semaphore, #tpu.memory_space<semaphore_mem>>) src(%arg11 : memref<200x64xf32, #tpu.memory_space<vmem>>) dst(%dma_wait3A_566 : memref<200x64xf32, #tpu.memory_space<hbm>>)
      %add3A_567 = arith.constant 4 : i32
      %add3A_568 = arith.addi %add3A_558, %add3A_567 : i32
      %dma_start3A_569 = arith.constant 0 : i32
      %dma_start3A_570 = tpu.memref_slice %arg5[%add3A_568, %dma_start3A_569] : memref<128x200xi32, #tpu.memory_space<vmem>> -> memref<1x200xi32, #tpu.memory_space<vmem>>
      %dma_start3A_571 = tpu.memref_squeeze %dma_start3A_570 : memref<1x200xi32, #tpu.memory_space<vmem>> -> memref<200xi32, #tpu.memory_space<vmem>>
      %dma_start3A_572 = arith.constant 0 : i32
      %dma_start3A_573 = arith.constant 0 : i32
      %dma_start3A_574 = tpu.memref_slice %arg2[%dma_start3A_572, %dma_start3A_573] : memref<1000000x64xf32, #tpu.memory_space<hbm>> -> memref<1000000x64xf32, #tpu.memory_space<hbm>>
      tpu.enqueue_indirect_dma source(%dma_start3A_574 : memref<1000000x64xf32, #tpu.memory_space<hbm>>) target(%arg11 : memref<200x64xf32, #tpu.memory_space<vmem>>) offsets(%dma_start3A_571 : memref<200xi32, #tpu.memory_space<vmem>>) semaphore(%arg19 : memref<!tpu.dma_semaphore, #tpu.memory_space<semaphore_mem>>)
      %dma_wait3A_575 = arith.constant 0 : i32
      %dma_wait3A_576 = arith.constant 0 : i32
      %dma_wait3A_577 = tpu.memref_slice %arg5[%dma_wait3A_575, %dma_wait3A_576] : memref<128x200xi32, #tpu.memory_space<vmem>> -> memref<1x200xi32, #tpu.memory_space<vmem>>
      %dma_wait3A_578 = tpu.memref_squeeze %dma_wait3A_577 : memref<1x200xi32, #tpu.memory_space<vmem>> -> memref<200xi32, #tpu.memory_space<vmem>>
      %dma_wait3A_579 = arith.constant 0 : i32
      %dma_wait3A_580 = arith.constant 0 : i32
      %dma_wait3A_581 = tpu.memref_slice %arg2[%dma_wait3A_579, %dma_wait3A_580] : memref<1000000x64xf32, #tpu.memory_space<hbm>> -> memref<1000000x64xf32, #tpu.memory_space<hbm>>
      tpu.wait_indirect_dma semaphore(%arg15 : memref<!tpu.dma_semaphore, #tpu.memory_space<semaphore_mem>>) src(%dma_wait3A_581 : memref<1000000x64xf32, #tpu.memory_space<hbm>>) dst(%arg7 : memref<200x64xf32, #tpu.memory_space<vmem>>)
      %add3A_582 = arith.addi %mul3A_2, %add3A_558 : i32
      %dma_start3A_583 = arith.constant 0 : i32
      %dma_start3A_584 = arith.constant 0 : i32
      %dma_start3A_585 = tpu.memref_slice %arg4[%add3A_582, %dma_start3A_583, %dma_start3A_584] : memref<4096x200x64xf32, #tpu.memory_space<hbm>> -> memref<1x200x64xf32, #tpu.memory_space<hbm>>
      %dma_start3A_586 = tpu.memref_squeeze %dma_start3A_585 : memref<1x200x64xf32, #tpu.memory_space<hbm>> -> memref<200x64xf32, #tpu.memory_space<hbm>>
      %dma_start3A_587 = arith.constant 0 : i32
      %dma_start3A_588 = arith.constant 0 : i32
      %dma_start3A_589 = tpu.memref_slice %arg4[%add3A_582, %dma_start3A_587, %dma_start3A_588] : memref<4096x200x64xf32, #tpu.memory_space<hbm>> -> memref<1x200x64xf32, #tpu.memory_space<hbm>>
      %dma_start3A_590 = tpu.memref_squeeze %dma_start3A_589 : memref<1x200x64xf32, #tpu.memory_space<hbm>> -> memref<200x64xf32, #tpu.memory_space<hbm>>
      tpu.enqueue_dma source(%arg7 : memref<200x64xf32, #tpu.memory_space<vmem>>) target(%dma_start3A_590 : memref<200x64xf32, #tpu.memory_space<hbm>>) target_semaphore(%arg23 : memref<!tpu.dma_semaphore, #tpu.memory_space<semaphore_mem>>)
      %mul3A_591 = arith.constant 8 : i32
      %mul3A_592 = arith.muli %scan3A_518, %mul3A_591 : i32
      %add3A_593 = arith.constant 2 : i32
      %add3A_594 = arith.addi %mul3A_592, %add3A_593 : i32
      %dma_wait3A_595 = arith.constant 0 : i32
      %dma_wait3A_596 = arith.constant 0 : i32
      %dma_wait3A_597 = tpu.memref_slice %arg4[%mul3A_2, %dma_wait3A_595, %dma_wait3A_596] : memref<4096x200x64xf32, #tpu.memory_space<hbm>> -> memref<1x200x64xf32, #tpu.memory_space<hbm>>
      %dma_wait3A_598 = tpu.memref_squeeze %dma_wait3A_597 : memref<1x200x64xf32, #tpu.memory_space<hbm>> -> memref<200x64xf32, #tpu.memory_space<hbm>>
      %dma_wait3A_599 = arith.constant 0 : i32
      %dma_wait3A_600 = arith.constant 0 : i32
      %dma_wait3A_601 = tpu.memref_slice %arg4[%mul3A_2, %dma_wait3A_599, %dma_wait3A_600] : memref<4096x200x64xf32, #tpu.memory_space<hbm>> -> memref<1x200x64xf32, #tpu.memory_space<hbm>>
      %dma_wait3A_602 = tpu.memref_squeeze %dma_wait3A_601 : memref<1x200x64xf32, #tpu.memory_space<hbm>> -> memref<200x64xf32, #tpu.memory_space<hbm>>
      tpu.wait_dma2 semaphore(%arg28 : memref<!tpu.dma_semaphore, #tpu.memory_space<semaphore_mem>>) src(%arg12 : memref<200x64xf32, #tpu.memory_space<vmem>>) dst(%dma_wait3A_602 : memref<200x64xf32, #tpu.memory_space<hbm>>)
      %add3A_603 = arith.constant 4 : i32
      %add3A_604 = arith.addi %add3A_594, %add3A_603 : i32
      %dma_start3A_605 = arith.constant 0 : i32
      %dma_start3A_606 = tpu.memref_slice %arg5[%add3A_604, %dma_start3A_605] : memref<128x200xi32, #tpu.memory_space<vmem>> -> memref<1x200xi32, #tpu.memory_space<vmem>>
      %dma_start3A_607 = tpu.memref_squeeze %dma_start3A_606 : memref<1x200xi32, #tpu.memory_space<vmem>> -> memref<200xi32, #tpu.memory_space<vmem>>
      %dma_start3A_608 = arith.constant 0 : i32
      %dma_start3A_609 = arith.constant 0 : i32
      %dma_start3A_610 = tpu.memref_slice %arg2[%dma_start3A_608, %dma_start3A_609] : memref<1000000x64xf32, #tpu.memory_space<hbm>> -> memref<1000000x64xf32, #tpu.memory_space<hbm>>
      tpu.enqueue_indirect_dma source(%dma_start3A_610 : memref<1000000x64xf32, #tpu.memory_space<hbm>>) target(%arg12 : memref<200x64xf32, #tpu.memory_space<vmem>>) offsets(%dma_start3A_607 : memref<200xi32, #tpu.memory_space<vmem>>) semaphore(%arg20 : memref<!tpu.dma_semaphore, #tpu.memory_space<semaphore_mem>>)
      %dma_wait3A_611 = arith.constant 0 : i32
      %dma_wait3A_612 = arith.constant 0 : i32
      %dma_wait3A_613 = tpu.memref_slice %arg5[%dma_wait3A_611, %dma_wait3A_612] : memref<128x200xi32, #tpu.memory_space<vmem>> -> memref<1x200xi32, #tpu.memory_space<vmem>>
      %dma_wait3A_614 = tpu.memref_squeeze %dma_wait3A_613 : memref<1x200xi32, #tpu.memory_space<vmem>> -> memref<200xi32, #tpu.memory_space<vmem>>
      %dma_wait3A_615 = arith.constant 0 : i32
      %dma_wait3A_616 = arith.constant 0 : i32
      %dma_wait3A_617 = tpu.memref_slice %arg2[%dma_wait3A_615, %dma_wait3A_616] : memref<1000000x64xf32, #tpu.memory_space<hbm>> -> memref<1000000x64xf32, #tpu.memory_space<hbm>>
      tpu.wait_indirect_dma semaphore(%arg16 : memref<!tpu.dma_semaphore, #tpu.memory_space<semaphore_mem>>) src(%dma_wait3A_617 : memref<1000000x64xf32, #tpu.memory_space<hbm>>) dst(%arg8 : memref<200x64xf32, #tpu.memory_space<vmem>>)
      %add3A_618 = arith.addi %mul3A_2, %add3A_594 : i32
      %dma_start3A_619 = arith.constant 0 : i32
      %dma_start3A_620 = arith.constant 0 : i32
      %dma_start3A_621 = tpu.memref_slice %arg4[%add3A_618, %dma_start3A_619, %dma_start3A_620] : memref<4096x200x64xf32, #tpu.memory_space<hbm>> -> memref<1x200x64xf32, #tpu.memory_space<hbm>>
      %dma_start3A_622 = tpu.memref_squeeze %dma_start3A_621 : memref<1x200x64xf32, #tpu.memory_space<hbm>> -> memref<200x64xf32, #tpu.memory_space<hbm>>
      %dma_start3A_623 = arith.constant 0 : i32
      %dma_start3A_624 = arith.constant 0 : i32
      %dma_start3A_625 = tpu.memref_slice %arg4[%add3A_618, %dma_start3A_623, %dma_start3A_624] : memref<4096x200x64xf32, #tpu.memory_space<hbm>> -> memref<1x200x64xf32, #tpu.memory_space<hbm>>
      %dma_start3A_626 = tpu.memref_squeeze %dma_start3A_625 : memref<1x200x64xf32, #tpu.memory_space<hbm>> -> memref<200x64xf32, #tpu.memory_space<hbm>>
      tpu.enqueue_dma source(%arg8 : memref<200x64xf32, #tpu.memory_space<vmem>>) target(%dma_start3A_626 : memref<200x64xf32, #tpu.memory_space<hbm>>) target_semaphore(%arg24 : memref<!tpu.dma_semaphore, #tpu.memory_space<semaphore_mem>>)
      %mul3A_627 = arith.constant 8 : i32
      %mul3A_628 = arith.muli %scan3A_518, %mul3A_627 : i32
      %add3A_629 = arith.constant 3 : i32
      %add3A_630 = arith.addi %mul3A_628, %add3A_629 : i32
      %dma_wait3A_631 = arith.constant 0 : i32
      %dma_wait3A_632 = arith.constant 0 : i32
      %dma_wait3A_633 = tpu.memref_slice %arg4[%mul3A_2, %dma_wait3A_631, %dma_wait3A_632] : memref<4096x200x64xf32, #tpu.memory_space<hbm>> -> memref<1x200x64xf32, #tpu.memory_space<hbm>>
      %dma_wait3A_634 = tpu.memref_squeeze %dma_wait3A_633 : memref<1x200x64xf32, #tpu.memory_space<hbm>> -> memref<200x64xf32, #tpu.memory_space<hbm>>
      %dma_wait3A_635 = arith.constant 0 : i32
      %dma_wait3A_636 = arith.constant 0 : i32
      %dma_wait3A_637 = tpu.memref_slice %arg4[%mul3A_2, %dma_wait3A_635, %dma_wait3A_636] : memref<4096x200x64xf32, #tpu.memory_space<hbm>> -> memref<1x200x64xf32, #tpu.memory_space<hbm>>
      %dma_wait3A_638 = tpu.memref_squeeze %dma_wait3A_637 : memref<1x200x64xf32, #tpu.memory_space<hbm>> -> memref<200x64xf32, #tpu.memory_space<hbm>>
      tpu.wait_dma2 semaphore(%arg29 : memref<!tpu.dma_semaphore, #tpu.memory_space<semaphore_mem>>) src(%arg13 : memref<200x64xf32, #tpu.memory_space<vmem>>) dst(%dma_wait3A_638 : memref<200x64xf32, #tpu.memory_space<hbm>>)
      %add3A_639 = arith.constant 4 : i32
      %add3A_640 = arith.addi %add3A_630, %add3A_639 : i32
      %dma_start3A_641 = arith.constant 0 : i32
      %dma_start3A_642 = tpu.memref_slice %arg5[%add3A_640, %dma_start3A_641] : memref<128x200xi32, #tpu.memory_space<vmem>> -> memref<1x200xi32, #tpu.memory_space<vmem>>
      %dma_start3A_643 = tpu.memref_squeeze %dma_start3A_642 : memref<1x200xi32, #tpu.memory_space<vmem>> -> memref<200xi32, #tpu.memory_space<vmem>>
      %dma_start3A_644 = arith.constant 0 : i32
      %dma_start3A_645 = arith.constant 0 : i32
      %dma_start3A_646 = tpu.memref_slice %arg2[%dma_start3A_644, %dma_start3A_645] : memref<1000000x64xf32, #tpu.memory_space<hbm>> -> memref<1000000x64xf32, #tpu.memory_space<hbm>>
      tpu.enqueue_indirect_dma source(%dma_start3A_646 : memref<1000000x64xf32, #tpu.memory_space<hbm>>) target(%arg13 : memref<200x64xf32, #tpu.memory_space<vmem>>) offsets(%dma_start3A_643 : memref<200xi32, #tpu.memory_space<vmem>>) semaphore(%arg21 : memref<!tpu.dma_semaphore, #tpu.memory_space<semaphore_mem>>)
      %dma_wait3A_647 = arith.constant 0 : i32
      %dma_wait3A_648 = arith.constant 0 : i32
      %dma_wait3A_649 = tpu.memref_slice %arg5[%dma_wait3A_647, %dma_wait3A_648] : memref<128x200xi32, #tpu.memory_space<vmem>> -> memref<1x200xi32, #tpu.memory_space<vmem>>
      %dma_wait3A_650 = tpu.memref_squeeze %dma_wait3A_649 : memref<1x200xi32, #tpu.memory_space<vmem>> -> memref<200xi32, #tpu.memory_space<vmem>>
      %dma_wait3A_651 = arith.constant 0 : i32
      %dma_wait3A_652 = arith.constant 0 : i32
      %dma_wait3A_653 = tpu.memref_slice %arg2[%dma_wait3A_651, %dma_wait3A_652] : memref<1000000x64xf32, #tpu.memory_space<hbm>> -> memref<1000000x64xf32, #tpu.memory_space<hbm>>
      tpu.wait_indirect_dma semaphore(%arg17 : memref<!tpu.dma_semaphore, #tpu.memory_space<semaphore_mem>>) src(%dma_wait3A_653 : memref<1000000x64xf32, #tpu.memory_space<hbm>>) dst(%arg9 : memref<200x64xf32, #tpu.memory_space<vmem>>)
      %add3A_654 = arith.addi %mul3A_2, %add3A_630 : i32
      %dma_start3A_655 = arith.constant 0 : i32
      %dma_start3A_656 = arith.constant 0 : i32
      %dma_start3A_657 = tpu.memref_slice %arg4[%add3A_654, %dma_start3A_655, %dma_start3A_656] : memref<4096x200x64xf32, #tpu.memory_space<hbm>> -> memref<1x200x64xf32, #tpu.memory_space<hbm>>
      %dma_start3A_658 = tpu.memref_squeeze %dma_start3A_657 : memref<1x200x64xf32, #tpu.memory_space<hbm>> -> memref<200x64xf32, #tpu.memory_space<hbm>>
      %dma_start3A_659 = arith.constant 0 : i32
      %dma_start3A_660 = arith.constant 0 : i32
      %dma_start3A_661 = tpu.memref_slice %arg4[%add3A_654, %dma_start3A_659, %dma_start3A_660] : memref<4096x200x64xf32, #tpu.memory_space<hbm>> -> memref<1x200x64xf32, #tpu.memory_space<hbm>>
      %dma_start3A_662 = tpu.memref_squeeze %dma_start3A_661 : memref<1x200x64xf32, #tpu.memory_space<hbm>> -> memref<200x64xf32, #tpu.memory_space<hbm>>
      tpu.enqueue_dma source(%arg9 : memref<200x64xf32, #tpu.memory_space<vmem>>) target(%dma_start3A_662 : memref<200x64xf32, #tpu.memory_space<hbm>>) target_semaphore(%arg25 : memref<!tpu.dma_semaphore, #tpu.memory_space<semaphore_mem>>)
      %mul3A_663 = arith.constant 8 : i32
      %mul3A_664 = arith.muli %scan3A_518, %mul3A_663 : i32
      %add3A_665 = arith.constant 4 : i32
      %add3A_666 = arith.addi %mul3A_664, %add3A_665 : i32
      %dma_wait3A_667 = arith.constant 0 : i32
      %dma_wait3A_668 = arith.constant 0 : i32
      %dma_wait3A_669 = tpu.memref_slice %arg4[%mul3A_2, %dma_wait3A_667, %dma_wait3A_668] : memref<4096x200x64xf32, #tpu.memory_space<hbm>> -> memref<1x200x64xf32, #tpu.memory_space<hbm>>
      %dma_wait3A_670 = tpu.memref_squeeze %dma_wait3A_669 : memref<1x200x64xf32, #tpu.memory_space<hbm>> -> memref<200x64xf32, #tpu.memory_space<hbm>>
      %dma_wait3A_671 = arith.constant 0 : i32
      %dma_wait3A_672 = arith.constant 0 : i32
      %dma_wait3A_673 = tpu.memref_slice %arg4[%mul3A_2, %dma_wait3A_671, %dma_wait3A_672] : memref<4096x200x64xf32, #tpu.memory_space<hbm>> -> memref<1x200x64xf32, #tpu.memory_space<hbm>>
      %dma_wait3A_674 = tpu.memref_squeeze %dma_wait3A_673 : memref<1x200x64xf32, #tpu.memory_space<hbm>> -> memref<200x64xf32, #tpu.memory_space<hbm>>
      tpu.wait_dma2 semaphore(%arg22 : memref<!tpu.dma_semaphore, #tpu.memory_space<semaphore_mem>>) src(%arg6 : memref<200x64xf32, #tpu.memory_space<vmem>>) dst(%dma_wait3A_674 : memref<200x64xf32, #tpu.memory_space<hbm>>)
      %add3A_675 = arith.constant 4 : i32
      %add3A_676 = arith.addi %add3A_666, %add3A_675 : i32
      %dma_start3A_677 = arith.constant 0 : i32
      %dma_start3A_678 = tpu.memref_slice %arg5[%add3A_676, %dma_start3A_677] : memref<128x200xi32, #tpu.memory_space<vmem>> -> memref<1x200xi32, #tpu.memory_space<vmem>>
      %dma_start3A_679 = tpu.memref_squeeze %dma_start3A_678 : memref<1x200xi32, #tpu.memory_space<vmem>> -> memref<200xi32, #tpu.memory_space<vmem>>
      %dma_start3A_680 = arith.constant 0 : i32
      %dma_start3A_681 = arith.constant 0 : i32
      %dma_start3A_682 = tpu.memref_slice %arg2[%dma_start3A_680, %dma_start3A_681] : memref<1000000x64xf32, #tpu.memory_space<hbm>> -> memref<1000000x64xf32, #tpu.memory_space<hbm>>
      tpu.enqueue_indirect_dma source(%dma_start3A_682 : memref<1000000x64xf32, #tpu.memory_space<hbm>>) target(%arg6 : memref<200x64xf32, #tpu.memory_space<vmem>>) offsets(%dma_start3A_679 : memref<200xi32, #tpu.memory_space<vmem>>) semaphore(%arg14 : memref<!tpu.dma_semaphore, #tpu.memory_space<semaphore_mem>>)
      %dma_wait3A_683 = arith.constant 0 : i32
      %dma_wait3A_684 = arith.constant 0 : i32
      %dma_wait3A_685 = tpu.memref_slice %arg5[%dma_wait3A_683, %dma_wait3A_684] : memref<128x200xi32, #tpu.memory_space<vmem>> -> memref<1x200xi32, #tpu.memory_space<vmem>>
      %dma_wait3A_686 = tpu.memref_squeeze %dma_wait3A_685 : memref<1x200xi32, #tpu.memory_space<vmem>> -> memref<200xi32, #tpu.memory_space<vmem>>
      %dma_wait3A_687 = arith.constant 0 : i32
      %dma_wait3A_688 = arith.constant 0 : i32
      %dma_wait3A_689 = tpu.memref_slice %arg2[%dma_wait3A_687, %dma_wait3A_688] : memref<1000000x64xf32, #tpu.memory_space<hbm>> -> memref<1000000x64xf32, #tpu.memory_space<hbm>>
      tpu.wait_indirect_dma semaphore(%arg18 : memref<!tpu.dma_semaphore, #tpu.memory_space<semaphore_mem>>) src(%dma_wait3A_689 : memref<1000000x64xf32, #tpu.memory_space<hbm>>) dst(%arg10 : memref<200x64xf32, #tpu.memory_space<vmem>>)
      %add3A_690 = arith.addi %mul3A_2, %add3A_666 : i32
      %dma_start3A_691 = arith.constant 0 : i32
      %dma_start3A_692 = arith.constant 0 : i32
      %dma_start3A_693 = tpu.memref_slice %arg4[%add3A_690, %dma_start3A_691, %dma_start3A_692] : memref<4096x200x64xf32, #tpu.memory_space<hbm>> -> memref<1x200x64xf32, #tpu.memory_space<hbm>>
      %dma_start3A_694 = tpu.memref_squeeze %dma_start3A_693 : memref<1x200x64xf32, #tpu.memory_space<hbm>> -> memref<200x64xf32, #tpu.memory_space<hbm>>
      %dma_start3A_695 = arith.constant 0 : i32
      %dma_start3A_696 = arith.constant 0 : i32
      %dma_start3A_697 = tpu.memref_slice %arg4[%add3A_690, %dma_start3A_695, %dma_start3A_696] : memref<4096x200x64xf32, #tpu.memory_space<hbm>> -> memref<1x200x64xf32, #tpu.memory_space<hbm>>
      %dma_start3A_698 = tpu.memref_squeeze %dma_start3A_697 : memref<1x200x64xf32, #tpu.memory_space<hbm>> -> memref<200x64xf32, #tpu.memory_space<hbm>>
      tpu.enqueue_dma source(%arg10 : memref<200x64xf32, #tpu.memory_space<vmem>>) target(%dma_start3A_698 : memref<200x64xf32, #tpu.memory_space<hbm>>) target_semaphore(%arg26 : memref<!tpu.dma_semaphore, #tpu.memory_space<semaphore_mem>>)
      %mul3A_699 = arith.constant 8 : i32
      %mul3A_700 = arith.muli %scan3A_518, %mul3A_699 : i32
      %add3A_701 = arith.constant 5 : i32
      %add3A_702 = arith.addi %mul3A_700, %add3A_701 : i32
      %dma_wait3A_703 = arith.constant 0 : i32
      %dma_wait3A_704 = arith.constant 0 : i32
      %dma_wait3A_705 = tpu.memref_slice %arg4[%mul3A_2, %dma_wait3A_703, %dma_wait3A_704] : memref<4096x200x64xf32, #tpu.memory_space<hbm>> -> memref<1x200x64xf32, #tpu.memory_space<hbm>>
      %dma_wait3A_706 = tpu.memref_squeeze %dma_wait3A_705 : memref<1x200x64xf32, #tpu.memory_space<hbm>> -> memref<200x64xf32, #tpu.memory_space<hbm>>
      %dma_wait3A_707 = arith.constant 0 : i32
      %dma_wait3A_708 = arith.constant 0 : i32
      %dma_wait3A_709 = tpu.memref_slice %arg4[%mul3A_2, %dma_wait3A_707, %dma_wait3A_708] : memref<4096x200x64xf32, #tpu.memory_space<hbm>> -> memref<1x200x64xf32, #tpu.memory_space<hbm>>
      %dma_wait3A_710 = tpu.memref_squeeze %dma_wait3A_709 : memref<1x200x64xf32, #tpu.memory_space<hbm>> -> memref<200x64xf32, #tpu.memory_space<hbm>>
      tpu.wait_dma2 semaphore(%arg23 : memref<!tpu.dma_semaphore, #tpu.memory_space<semaphore_mem>>) src(%arg7 : memref<200x64xf32, #tpu.memory_space<vmem>>) dst(%dma_wait3A_710 : memref<200x64xf32, #tpu.memory_space<hbm>>)
      %add3A_711 = arith.constant 4 : i32
      %add3A_712 = arith.addi %add3A_702, %add3A_711 : i32
      %dma_start3A_713 = arith.constant 0 : i32
      %dma_start3A_714 = tpu.memref_slice %arg5[%add3A_712, %dma_start3A_713] : memref<128x200xi32, #tpu.memory_space<vmem>> -> memref<1x200xi32, #tpu.memory_space<vmem>>
      %dma_start3A_715 = tpu.memref_squeeze %dma_start3A_714 : memref<1x200xi32, #tpu.memory_space<vmem>> -> memref<200xi32, #tpu.memory_space<vmem>>
      %dma_start3A_716 = arith.constant 0 : i32
      %dma_start3A_717 = arith.constant 0 : i32
      %dma_start3A_718 = tpu.memref_slice %arg2[%dma_start3A_716, %dma_start3A_717] : memref<1000000x64xf32, #tpu.memory_space<hbm>> -> memref<1000000x64xf32, #tpu.memory_space<hbm>>
      tpu.enqueue_indirect_dma source(%dma_start3A_718 : memref<1000000x64xf32, #tpu.memory_space<hbm>>) target(%arg7 : memref<200x64xf32, #tpu.memory_space<vmem>>) offsets(%dma_start3A_715 : memref<200xi32, #tpu.memory_space<vmem>>) semaphore(%arg15 : memref<!tpu.dma_semaphore, #tpu.memory_space<semaphore_mem>>)
      %dma_wait3A_719 = arith.constant 0 : i32
      %dma_wait3A_720 = arith.constant 0 : i32
      %dma_wait3A_721 = tpu.memref_slice %arg5[%dma_wait3A_719, %dma_wait3A_720] : memref<128x200xi32, #tpu.memory_space<vmem>> -> memref<1x200xi32, #tpu.memory_space<vmem>>
      %dma_wait3A_722 = tpu.memref_squeeze %dma_wait3A_721 : memref<1x200xi32, #tpu.memory_space<vmem>> -> memref<200xi32, #tpu.memory_space<vmem>>
      %dma_wait3A_723 = arith.constant 0 : i32
      %dma_wait3A_724 = arith.constant 0 : i32
      %dma_wait3A_725 = tpu.memref_slice %arg2[%dma_wait3A_723, %dma_wait3A_724] : memref<1000000x64xf32, #tpu.memory_space<hbm>> -> memref<1000000x64xf32, #tpu.memory_space<hbm>>
      tpu.wait_indirect_dma semaphore(%arg19 : memref<!tpu.dma_semaphore, #tpu.memory_space<semaphore_mem>>) src(%dma_wait3A_725 : memref<1000000x64xf32, #tpu.memory_space<hbm>>) dst(%arg11 : memref<200x64xf32, #tpu.memory_space<vmem>>)
      %add3A_726 = arith.addi %mul3A_2, %add3A_702 : i32
      %dma_start3A_727 = arith.constant 0 : i32
      %dma_start3A_728 = arith.constant 0 : i32
      %dma_start3A_729 = tpu.memref_slice %arg4[%add3A_726, %dma_start3A_727, %dma_start3A_728] : memref<4096x200x64xf32, #tpu.memory_space<hbm>> -> memref<1x200x64xf32, #tpu.memory_space<hbm>>
      %dma_start3A_730 = tpu.memref_squeeze %dma_start3A_729 : memref<1x200x64xf32, #tpu.memory_space<hbm>> -> memref<200x64xf32, #tpu.memory_space<hbm>>
      %dma_start3A_731 = arith.constant 0 : i32
      %dma_start3A_732 = arith.constant 0 : i32
      %dma_start3A_733 = tpu.memref_slice %arg4[%add3A_726, %dma_start3A_731, %dma_start3A_732] : memref<4096x200x64xf32, #tpu.memory_space<hbm>> -> memref<1x200x64xf32, #tpu.memory_space<hbm>>
      %dma_start3A_734 = tpu.memref_squeeze %dma_start3A_733 : memref<1x200x64xf32, #tpu.memory_space<hbm>> -> memref<200x64xf32, #tpu.memory_space<hbm>>
      tpu.enqueue_dma source(%arg11 : memref<200x64xf32, #tpu.memory_space<vmem>>) target(%dma_start3A_734 : memref<200x64xf32, #tpu.memory_space<hbm>>) target_semaphore(%arg27 : memref<!tpu.dma_semaphore, #tpu.memory_space<semaphore_mem>>)
      %mul3A_735 = arith.constant 8 : i32
      %mul3A_736 = arith.muli %scan3A_518, %mul3A_735 : i32
      %add3A_737 = arith.constant 6 : i32
      %add3A_738 = arith.addi %mul3A_736, %add3A_737 : i32
      %dma_wait3A_739 = arith.constant 0 : i32
      %dma_wait3A_740 = arith.constant 0 : i32
      %dma_wait3A_741 = tpu.memref_slice %arg4[%mul3A_2, %dma_wait3A_739, %dma_wait3A_740] : memref<4096x200x64xf32, #tpu.memory_space<hbm>> -> memref<1x200x64xf32, #tpu.memory_space<hbm>>
      %dma_wait3A_742 = tpu.memref_squeeze %dma_wait3A_741 : memref<1x200x64xf32, #tpu.memory_space<hbm>> -> memref<200x64xf32, #tpu.memory_space<hbm>>
      %dma_wait3A_743 = arith.constant 0 : i32
      %dma_wait3A_744 = arith.constant 0 : i32
      %dma_wait3A_745 = tpu.memref_slice %arg4[%mul3A_2, %dma_wait3A_743, %dma_wait3A_744] : memref<4096x200x64xf32, #tpu.memory_space<hbm>> -> memref<1x200x64xf32, #tpu.memory_space<hbm>>
      %dma_wait3A_746 = tpu.memref_squeeze %dma_wait3A_745 : memref<1x200x64xf32, #tpu.memory_space<hbm>> -> memref<200x64xf32, #tpu.memory_space<hbm>>
      tpu.wait_dma2 semaphore(%arg24 : memref<!tpu.dma_semaphore, #tpu.memory_space<semaphore_mem>>) src(%arg8 : memref<200x64xf32, #tpu.memory_space<vmem>>) dst(%dma_wait3A_746 : memref<200x64xf32, #tpu.memory_space<hbm>>)
      %add3A_747 = arith.constant 4 : i32
      %add3A_748 = arith.addi %add3A_738, %add3A_747 : i32
      %dma_start3A_749 = arith.constant 0 : i32
      %dma_start3A_750 = tpu.memref_slice %arg5[%add3A_748, %dma_start3A_749] : memref<128x200xi32, #tpu.memory_space<vmem>> -> memref<1x200xi32, #tpu.memory_space<vmem>>
      %dma_start3A_751 = tpu.memref_squeeze %dma_start3A_750 : memref<1x200xi32, #tpu.memory_space<vmem>> -> memref<200xi32, #tpu.memory_space<vmem>>
      %dma_start3A_752 = arith.constant 0 : i32
      %dma_start3A_753 = arith.constant 0 : i32
      %dma_start3A_754 = tpu.memref_slice %arg2[%dma_start3A_752, %dma_start3A_753] : memref<1000000x64xf32, #tpu.memory_space<hbm>> -> memref<1000000x64xf32, #tpu.memory_space<hbm>>
      tpu.enqueue_indirect_dma source(%dma_start3A_754 : memref<1000000x64xf32, #tpu.memory_space<hbm>>) target(%arg8 : memref<200x64xf32, #tpu.memory_space<vmem>>) offsets(%dma_start3A_751 : memref<200xi32, #tpu.memory_space<vmem>>) semaphore(%arg16 : memref<!tpu.dma_semaphore, #tpu.memory_space<semaphore_mem>>)
      %dma_wait3A_755 = arith.constant 0 : i32
      %dma_wait3A_756 = arith.constant 0 : i32
      %dma_wait3A_757 = tpu.memref_slice %arg5[%dma_wait3A_755, %dma_wait3A_756] : memref<128x200xi32, #tpu.memory_space<vmem>> -> memref<1x200xi32, #tpu.memory_space<vmem>>
      %dma_wait3A_758 = tpu.memref_squeeze %dma_wait3A_757 : memref<1x200xi32, #tpu.memory_space<vmem>> -> memref<200xi32, #tpu.memory_space<vmem>>
      %dma_wait3A_759 = arith.constant 0 : i32
      %dma_wait3A_760 = arith.constant 0 : i32
      %dma_wait3A_761 = tpu.memref_slice %arg2[%dma_wait3A_759, %dma_wait3A_760] : memref<1000000x64xf32, #tpu.memory_space<hbm>> -> memref<1000000x64xf32, #tpu.memory_space<hbm>>
      tpu.wait_indirect_dma semaphore(%arg20 : memref<!tpu.dma_semaphore, #tpu.memory_space<semaphore_mem>>) src(%dma_wait3A_761 : memref<1000000x64xf32, #tpu.memory_space<hbm>>) dst(%arg12 : memref<200x64xf32, #tpu.memory_space<vmem>>)
      %add3A_762 = arith.addi %mul3A_2, %add3A_738 : i32
      %dma_start3A_763 = arith.constant 0 : i32
      %dma_start3A_764 = arith.constant 0 : i32
      %dma_start3A_765 = tpu.memref_slice %arg4[%add3A_762, %dma_start3A_763, %dma_start3A_764] : memref<4096x200x64xf32, #tpu.memory_space<hbm>> -> memref<1x200x64xf32, #tpu.memory_space<hbm>>
      %dma_start3A_766 = tpu.memref_squeeze %dma_start3A_765 : memref<1x200x64xf32, #tpu.memory_space<hbm>> -> memref<200x64xf32, #tpu.memory_space<hbm>>
      %dma_start3A_767 = arith.constant 0 : i32
      %dma_start3A_768 = arith.constant 0 : i32
      %dma_start3A_769 = tpu.memref_slice %arg4[%add3A_762, %dma_start3A_767, %dma_start3A_768] : memref<4096x200x64xf32, #tpu.memory_space<hbm>> -> memref<1x200x64xf32, #tpu.memory_space<hbm>>
      %dma_start3A_770 = tpu.memref_squeeze %dma_start3A_769 : memref<1x200x64xf32, #tpu.memory_space<hbm>> -> memref<200x64xf32, #tpu.memory_space<hbm>>
      tpu.enqueue_dma source(%arg12 : memref<200x64xf32, #tpu.memory_space<vmem>>) target(%dma_start3A_770 : memref<200x64xf32, #tpu.memory_space<hbm>>) target_semaphore(%arg28 : memref<!tpu.dma_semaphore, #tpu.memory_space<semaphore_mem>>)
      %mul3A_771 = arith.constant 8 : i32
      %mul3A_772 = arith.muli %scan3A_518, %mul3A_771 : i32
      %add3A_773 = arith.constant 7 : i32
      %add3A_774 = arith.addi %mul3A_772, %add3A_773 : i32
      %dma_wait3A_775 = arith.constant 0 : i32
      %dma_wait3A_776 = arith.constant 0 : i32
      %dma_wait3A_777 = tpu.memref_slice %arg4[%mul3A_2, %dma_wait3A_775, %dma_wait3A_776] : memref<4096x200x64xf32, #tpu.memory_space<hbm>> -> memref<1x200x64xf32, #tpu.memory_space<hbm>>
      %dma_wait3A_778 = tpu.memref_squeeze %dma_wait3A_777 : memref<1x200x64xf32, #tpu.memory_space<hbm>> -> memref<200x64xf32, #tpu.memory_space<hbm>>
      %dma_wait3A_779 = arith.constant 0 : i32
      %dma_wait3A_780 = arith.constant 0 : i32
      %dma_wait3A_781 = tpu.memref_slice %arg4[%mul3A_2, %dma_wait3A_779, %dma_wait3A_780] : memref<4096x200x64xf32, #tpu.memory_space<hbm>> -> memref<1x200x64xf32, #tpu.memory_space<hbm>>
      %dma_wait3A_782 = tpu.memref_squeeze %dma_wait3A_781 : memref<1x200x64xf32, #tpu.memory_space<hbm>> -> memref<200x64xf32, #tpu.memory_space<hbm>>
      tpu.wait_dma2 semaphore(%arg25 : memref<!tpu.dma_semaphore, #tpu.memory_space<semaphore_mem>>) src(%arg9 : memref<200x64xf32, #tpu.memory_space<vmem>>) dst(%dma_wait3A_782 : memref<200x64xf32, #tpu.memory_space<hbm>>)
      %add3A_783 = arith.constant 4 : i32
      %add3A_784 = arith.addi %add3A_774, %add3A_783 : i32
      %dma_start3A_785 = arith.constant 0 : i32
      %dma_start3A_786 = tpu.memref_slice %arg5[%add3A_784, %dma_start3A_785] : memref<128x200xi32, #tpu.memory_space<vmem>> -> memref<1x200xi32, #tpu.memory_space<vmem>>
      %dma_start3A_787 = tpu.memref_squeeze %dma_start3A_786 : memref<1x200xi32, #tpu.memory_space<vmem>> -> memref<200xi32, #tpu.memory_space<vmem>>
      %dma_start3A_788 = arith.constant 0 : i32
      %dma_start3A_789 = arith.constant 0 : i32
      %dma_start3A_790 = tpu.memref_slice %arg2[%dma_start3A_788, %dma_start3A_789] : memref<1000000x64xf32, #tpu.memory_space<hbm>> -> memref<1000000x64xf32, #tpu.memory_space<hbm>>
      tpu.enqueue_indirect_dma source(%dma_start3A_790 : memref<1000000x64xf32, #tpu.memory_space<hbm>>) target(%arg9 : memref<200x64xf32, #tpu.memory_space<vmem>>) offsets(%dma_start3A_787 : memref<200xi32, #tpu.memory_space<vmem>>) semaphore(%arg17 : memref<!tpu.dma_semaphore, #tpu.memory_space<semaphore_mem>>)
      %dma_wait3A_791 = arith.constant 0 : i32
      %dma_wait3A_792 = arith.constant 0 : i32
      %dma_wait3A_793 = tpu.memref_slice %arg5[%dma_wait3A_791, %dma_wait3A_792] : memref<128x200xi32, #tpu.memory_space<vmem>> -> memref<1x200xi32, #tpu.memory_space<vmem>>
      %dma_wait3A_794 = tpu.memref_squeeze %dma_wait3A_793 : memref<1x200xi32, #tpu.memory_space<vmem>> -> memref<200xi32, #tpu.memory_space<vmem>>
      %dma_wait3A_795 = arith.constant 0 : i32
      %dma_wait3A_796 = arith.constant 0 : i32
      %dma_wait3A_797 = tpu.memref_slice %arg2[%dma_wait3A_795, %dma_wait3A_796] : memref<1000000x64xf32, #tpu.memory_space<hbm>> -> memref<1000000x64xf32, #tpu.memory_space<hbm>>
      tpu.wait_indirect_dma semaphore(%arg21 : memref<!tpu.dma_semaphore, #tpu.memory_space<semaphore_mem>>) src(%dma_wait3A_797 : memref<1000000x64xf32, #tpu.memory_space<hbm>>) dst(%arg13 : memref<200x64xf32, #tpu.memory_space<vmem>>)
      %add3A_798 = arith.addi %mul3A_2, %add3A_774 : i32
      %dma_start3A_799 = arith.constant 0 : i32
      %dma_start3A_800 = arith.constant 0 : i32
      %dma_start3A_801 = tpu.memref_slice %arg4[%add3A_798, %dma_start3A_799, %dma_start3A_800] : memref<4096x200x64xf32, #tpu.memory_space<hbm>> -> memref<1x200x64xf32, #tpu.memory_space<hbm>>
      %dma_start3A_802 = tpu.memref_squeeze %dma_start3A_801 : memref<1x200x64xf32, #tpu.memory_space<hbm>> -> memref<200x64xf32, #tpu.memory_space<hbm>>
      %dma_start3A_803 = arith.constant 0 : i32
      %dma_start3A_804 = arith.constant 0 : i32
      %dma_start3A_805 = tpu.memref_slice %arg4[%add3A_798, %dma_start3A_803, %dma_start3A_804] : memref<4096x200x64xf32, #tpu.memory_space<hbm>> -> memref<1x200x64xf32, #tpu.memory_space<hbm>>
      %dma_start3A_806 = tpu.memref_squeeze %dma_start3A_805 : memref<1x200x64xf32, #tpu.memory_space<hbm>> -> memref<200x64xf32, #tpu.memory_space<hbm>>
      tpu.enqueue_dma source(%arg13 : memref<200x64xf32, #tpu.memory_space<vmem>>) target(%dma_start3A_806 : memref<200x64xf32, #tpu.memory_space<hbm>>) target_semaphore(%arg29 : memref<!tpu.dma_semaphore, #tpu.memory_space<semaphore_mem>>)
    }
    %scan3A_257 = arith.constant 14 : i32
    %dma_wait3A_258 = arith.constant 0 : i32
    %dma_wait3A_259 = arith.constant 0 : i32
    %dma_wait3A_260 = tpu.memref_slice %arg4[%mul3A_2, %dma_wait3A_258, %dma_wait3A_259] : memref<4096x200x64xf32, #tpu.memory_space<hbm>> -> memref<1x200x64xf32, #tpu.memory_space<hbm>>
    %dma_wait3A_261 = tpu.memref_squeeze %dma_wait3A_260 : memref<1x200x64xf32, #tpu.memory_space<hbm>> -> memref<200x64xf32, #tpu.memory_space<hbm>>
    %dma_wait3A_262 = arith.constant 0 : i32
    %dma_wait3A_263 = arith.constant 0 : i32
    %dma_wait3A_264 = tpu.memref_slice %arg4[%mul3A_2, %dma_wait3A_262, %dma_wait3A_263] : memref<4096x200x64xf32, #tpu.memory_space<hbm>> -> memref<1x200x64xf32, #tpu.memory_space<hbm>>
    %dma_wait3A_265 = tpu.memref_squeeze %dma_wait3A_264 : memref<1x200x64xf32, #tpu.memory_space<hbm>> -> memref<200x64xf32, #tpu.memory_space<hbm>>
    tpu.wait_dma2 semaphore(%arg26 : memref<!tpu.dma_semaphore, #tpu.memory_space<semaphore_mem>>) src(%arg10 : memref<200x64xf32, #tpu.memory_space<vmem>>) dst(%dma_wait3A_265 : memref<200x64xf32, #tpu.memory_space<hbm>>)
    %dma_start3A_266 = arith.constant 124 : i32
    %dma_start3A_267 = arith.constant 0 : i32
    %dma_start3A_268 = tpu.memref_slice %arg5[%dma_start3A_266, %dma_start3A_267] : memref<128x200xi32, #tpu.memory_space<vmem>> -> memref<1x200xi32, #tpu.memory_space<vmem>>
    %dma_start3A_269 = tpu.memref_squeeze %dma_start3A_268 : memref<1x200xi32, #tpu.memory_space<vmem>> -> memref<200xi32, #tpu.memory_space<vmem>>
    %dma_start3A_270 = arith.constant 0 : i32
    %dma_start3A_271 = arith.constant 0 : i32
    %dma_start3A_272 = tpu.memref_slice %arg2[%dma_start3A_270, %dma_start3A_271] : memref<1000000x64xf32, #tpu.memory_space<hbm>> -> memref<1000000x64xf32, #tpu.memory_space<hbm>>
    tpu.enqueue_indirect_dma source(%dma_start3A_272 : memref<1000000x64xf32, #tpu.memory_space<hbm>>) target(%arg10 : memref<200x64xf32, #tpu.memory_space<vmem>>) offsets(%dma_start3A_269 : memref<200xi32, #tpu.memory_space<vmem>>) semaphore(%arg18 : memref<!tpu.dma_semaphore, #tpu.memory_space<semaphore_mem>>)
    %dma_wait3A_273 = arith.constant 0 : i32
    %dma_wait3A_274 = arith.constant 0 : i32
    %dma_wait3A_275 = tpu.memref_slice %arg5[%dma_wait3A_273, %dma_wait3A_274] : memref<128x200xi32, #tpu.memory_space<vmem>> -> memref<1x200xi32, #tpu.memory_space<vmem>>
    %dma_wait3A_276 = tpu.memref_squeeze %dma_wait3A_275 : memref<1x200xi32, #tpu.memory_space<vmem>> -> memref<200xi32, #tpu.memory_space<vmem>>
    %dma_wait3A_277 = arith.constant 0 : i32
    %dma_wait3A_278 = arith.constant 0 : i32
    %dma_wait3A_279 = tpu.memref_slice %arg2[%dma_wait3A_277, %dma_wait3A_278] : memref<1000000x64xf32, #tpu.memory_space<hbm>> -> memref<1000000x64xf32, #tpu.memory_space<hbm>>
    tpu.wait_indirect_dma semaphore(%arg14 : memref<!tpu.dma_semaphore, #tpu.memory_space<semaphore_mem>>) src(%dma_wait3A_279 : memref<1000000x64xf32, #tpu.memory_space<hbm>>) dst(%arg6 : memref<200x64xf32, #tpu.memory_space<vmem>>)
    %add3A_280 = arith.constant 120 : i32
    %add3A_281 = arith.addi %mul3A_2, %add3A_280 : i32
    %dma_start3A_282 = arith.constant 0 : i32
    %dma_start3A_283 = arith.constant 0 : i32
    %dma_start3A_284 = tpu.memref_slice %arg4[%add3A_281, %dma_start3A_282, %dma_start3A_283] : memref<4096x200x64xf32, #tpu.memory_space<hbm>> -> memref<1x200x64xf32, #tpu.memory_space<hbm>>
    %dma_start3A_285 = tpu.memref_squeeze %dma_start3A_284 : memref<1x200x64xf32, #tpu.memory_space<hbm>> -> memref<200x64xf32, #tpu.memory_space<hbm>>
    %dma_start3A_286 = arith.constant 0 : i32
    %dma_start3A_287 = arith.constant 0 : i32
    %dma_start3A_288 = tpu.memref_slice %arg4[%add3A_281, %dma_start3A_286, %dma_start3A_287] : memref<4096x200x64xf32, #tpu.memory_space<hbm>> -> memref<1x200x64xf32, #tpu.memory_space<hbm>>
    %dma_start3A_289 = tpu.memref_squeeze %dma_start3A_288 : memref<1x200x64xf32, #tpu.memory_space<hbm>> -> memref<200x64xf32, #tpu.memory_space<hbm>>
    tpu.enqueue_dma source(%arg6 : memref<200x64xf32, #tpu.memory_space<vmem>>) target(%dma_start3A_289 : memref<200x64xf32, #tpu.memory_space<hbm>>) target_semaphore(%arg22 : memref<!tpu.dma_semaphore, #tpu.memory_space<semaphore_mem>>)
    %dma_wait3A_290 = arith.constant 0 : i32
    %dma_wait3A_291 = arith.constant 0 : i32
    %dma_wait3A_292 = tpu.memref_slice %arg4[%mul3A_2, %dma_wait3A_290, %dma_wait3A_291] : memref<4096x200x64xf32, #tpu.memory_space<hbm>> -> memref<1x200x64xf32, #tpu.memory_space<hbm>>
    %dma_wait3A_293 = tpu.memref_squeeze %dma_wait3A_292 : memref<1x200x64xf32, #tpu.memory_space<hbm>> -> memref<200x64xf32, #tpu.memory_space<hbm>>
    %dma_wait3A_294 = arith.constant 0 : i32
    %dma_wait3A_295 = arith.constant 0 : i32
    %dma_wait3A_296 = tpu.memref_slice %arg4[%mul3A_2, %dma_wait3A_294, %dma_wait3A_295] : memref<4096x200x64xf32, #tpu.memory_space<hbm>> -> memref<1x200x64xf32, #tpu.memory_space<hbm>>
    %dma_wait3A_297 = tpu.memref_squeeze %dma_wait3A_296 : memref<1x200x64xf32, #tpu.memory_space<hbm>> -> memref<200x64xf32, #tpu.memory_space<hbm>>
    tpu.wait_dma2 semaphore(%arg27 : memref<!tpu.dma_semaphore, #tpu.memory_space<semaphore_mem>>) src(%arg11 : memref<200x64xf32, #tpu.memory_space<vmem>>) dst(%dma_wait3A_297 : memref<200x64xf32, #tpu.memory_space<hbm>>)
    %dma_start3A_298 = arith.constant 125 : i32
    %dma_start3A_299 = arith.constant 0 : i32
    %dma_start3A_300 = tpu.memref_slice %arg5[%dma_start3A_298, %dma_start3A_299] : memref<128x200xi32, #tpu.memory_space<vmem>> -> memref<1x200xi32, #tpu.memory_space<vmem>>
    %dma_start3A_301 = tpu.memref_squeeze %dma_start3A_300 : memref<1x200xi32, #tpu.memory_space<vmem>> -> memref<200xi32, #tpu.memory_space<vmem>>
    %dma_start3A_302 = arith.constant 0 : i32
    %dma_start3A_303 = arith.constant 0 : i32
    %dma_start3A_304 = tpu.memref_slice %arg2[%dma_start3A_302, %dma_start3A_303] : memref<1000000x64xf32, #tpu.memory_space<hbm>> -> memref<1000000x64xf32, #tpu.memory_space<hbm>>
    tpu.enqueue_indirect_dma source(%dma_start3A_304 : memref<1000000x64xf32, #tpu.memory_space<hbm>>) target(%arg11 : memref<200x64xf32, #tpu.memory_space<vmem>>) offsets(%dma_start3A_301 : memref<200xi32, #tpu.memory_space<vmem>>) semaphore(%arg19 : memref<!tpu.dma_semaphore, #tpu.memory_space<semaphore_mem>>)
    %dma_wait3A_305 = arith.constant 0 : i32
    %dma_wait3A_306 = arith.constant 0 : i32
    %dma_wait3A_307 = tpu.memref_slice %arg5[%dma_wait3A_305, %dma_wait3A_306] : memref<128x200xi32, #tpu.memory_space<vmem>> -> memref<1x200xi32, #tpu.memory_space<vmem>>
    %dma_wait3A_308 = tpu.memref_squeeze %dma_wait3A_307 : memref<1x200xi32, #tpu.memory_space<vmem>> -> memref<200xi32, #tpu.memory_space<vmem>>
    %dma_wait3A_309 = arith.constant 0 : i32
    %dma_wait3A_310 = arith.constant 0 : i32
    %dma_wait3A_311 = tpu.memref_slice %arg2[%dma_wait3A_309, %dma_wait3A_310] : memref<1000000x64xf32, #tpu.memory_space<hbm>> -> memref<1000000x64xf32, #tpu.memory_space<hbm>>
    tpu.wait_indirect_dma semaphore(%arg15 : memref<!tpu.dma_semaphore, #tpu.memory_space<semaphore_mem>>) src(%dma_wait3A_311 : memref<1000000x64xf32, #tpu.memory_space<hbm>>) dst(%arg7 : memref<200x64xf32, #tpu.memory_space<vmem>>)
    %add3A_312 = arith.constant 121 : i32
    %add3A_313 = arith.addi %mul3A_2, %add3A_312 : i32
    %dma_start3A_314 = arith.constant 0 : i32
    %dma_start3A_315 = arith.constant 0 : i32
    %dma_start3A_316 = tpu.memref_slice %arg4[%add3A_313, %dma_start3A_314, %dma_start3A_315] : memref<4096x200x64xf32, #tpu.memory_space<hbm>> -> memref<1x200x64xf32, #tpu.memory_space<hbm>>
    %dma_start3A_317 = tpu.memref_squeeze %dma_start3A_316 : memref<1x200x64xf32, #tpu.memory_space<hbm>> -> memref<200x64xf32, #tpu.memory_space<hbm>>
    %dma_start3A_318 = arith.constant 0 : i32
    %dma_start3A_319 = arith.constant 0 : i32
    %dma_start3A_320 = tpu.memref_slice %arg4[%add3A_313, %dma_start3A_318, %dma_start3A_319] : memref<4096x200x64xf32, #tpu.memory_space<hbm>> -> memref<1x200x64xf32, #tpu.memory_space<hbm>>
    %dma_start3A_321 = tpu.memref_squeeze %dma_start3A_320 : memref<1x200x64xf32, #tpu.memory_space<hbm>> -> memref<200x64xf32, #tpu.memory_space<hbm>>
    tpu.enqueue_dma source(%arg7 : memref<200x64xf32, #tpu.memory_space<vmem>>) target(%dma_start3A_321 : memref<200x64xf32, #tpu.memory_space<hbm>>) target_semaphore(%arg23 : memref<!tpu.dma_semaphore, #tpu.memory_space<semaphore_mem>>)
    %dma_wait3A_322 = arith.constant 0 : i32
    %dma_wait3A_323 = arith.constant 0 : i32
    %dma_wait3A_324 = tpu.memref_slice %arg4[%mul3A_2, %dma_wait3A_322, %dma_wait3A_323] : memref<4096x200x64xf32, #tpu.memory_space<hbm>> -> memref<1x200x64xf32, #tpu.memory_space<hbm>>
    %dma_wait3A_325 = tpu.memref_squeeze %dma_wait3A_324 : memref<1x200x64xf32, #tpu.memory_space<hbm>> -> memref<200x64xf32, #tpu.memory_space<hbm>>
    %dma_wait3A_326 = arith.constant 0 : i32
    %dma_wait3A_327 = arith.constant 0 : i32
    %dma_wait3A_328 = tpu.memref_slice %arg4[%mul3A_2, %dma_wait3A_326, %dma_wait3A_327] : memref<4096x200x64xf32, #tpu.memory_space<hbm>> -> memref<1x200x64xf32, #tpu.memory_space<hbm>>
    %dma_wait3A_329 = tpu.memref_squeeze %dma_wait3A_328 : memref<1x200x64xf32, #tpu.memory_space<hbm>> -> memref<200x64xf32, #tpu.memory_space<hbm>>
    tpu.wait_dma2 semaphore(%arg28 : memref<!tpu.dma_semaphore, #tpu.memory_space<semaphore_mem>>) src(%arg12 : memref<200x64xf32, #tpu.memory_space<vmem>>) dst(%dma_wait3A_329 : memref<200x64xf32, #tpu.memory_space<hbm>>)
    %dma_start3A_330 = arith.constant 126 : i32
    %dma_start3A_331 = arith.constant 0 : i32
    %dma_start3A_332 = tpu.memref_slice %arg5[%dma_start3A_330, %dma_start3A_331] : memref<128x200xi32, #tpu.memory_space<vmem>> -> memref<1x200xi32, #tpu.memory_space<vmem>>
    %dma_start3A_333 = tpu.memref_squeeze %dma_start3A_332 : memref<1x200xi32, #tpu.memory_space<vmem>> -> memref<200xi32, #tpu.memory_space<vmem>>
    %dma_start3A_334 = arith.constant 0 : i32
    %dma_start3A_335 = arith.constant 0 : i32
    %dma_start3A_336 = tpu.memref_slice %arg2[%dma_start3A_334, %dma_start3A_335] : memref<1000000x64xf32, #tpu.memory_space<hbm>> -> memref<1000000x64xf32, #tpu.memory_space<hbm>>
    tpu.enqueue_indirect_dma source(%dma_start3A_336 : memref<1000000x64xf32, #tpu.memory_space<hbm>>) target(%arg12 : memref<200x64xf32, #tpu.memory_space<vmem>>) offsets(%dma_start3A_333 : memref<200xi32, #tpu.memory_space<vmem>>) semaphore(%arg20 : memref<!tpu.dma_semaphore, #tpu.memory_space<semaphore_mem>>)
    %dma_wait3A_337 = arith.constant 0 : i32
    %dma_wait3A_338 = arith.constant 0 : i32
    %dma_wait3A_339 = tpu.memref_slice %arg5[%dma_wait3A_337, %dma_wait3A_338] : memref<128x200xi32, #tpu.memory_space<vmem>> -> memref<1x200xi32, #tpu.memory_space<vmem>>
    %dma_wait3A_340 = tpu.memref_squeeze %dma_wait3A_339 : memref<1x200xi32, #tpu.memory_space<vmem>> -> memref<200xi32, #tpu.memory_space<vmem>>
    %dma_wait3A_341 = arith.constant 0 : i32
    %dma_wait3A_342 = arith.constant 0 : i32
    %dma_wait3A_343 = tpu.memref_slice %arg2[%dma_wait3A_341, %dma_wait3A_342] : memref<1000000x64xf32, #tpu.memory_space<hbm>> -> memref<1000000x64xf32, #tpu.memory_space<hbm>>
    tpu.wait_indirect_dma semaphore(%arg16 : memref<!tpu.dma_semaphore, #tpu.memory_space<semaphore_mem>>) src(%dma_wait3A_343 : memref<1000000x64xf32, #tpu.memory_space<hbm>>) dst(%arg8 : memref<200x64xf32, #tpu.memory_space<vmem>>)
    %add3A_344 = arith.constant 122 : i32
    %add3A_345 = arith.addi %mul3A_2, %add3A_344 : i32
    %dma_start3A_346 = arith.constant 0 : i32
    %dma_start3A_347 = arith.constant 0 : i32
    %dma_start3A_348 = tpu.memref_slice %arg4[%add3A_345, %dma_start3A_346, %dma_start3A_347] : memref<4096x200x64xf32, #tpu.memory_space<hbm>> -> memref<1x200x64xf32, #tpu.memory_space<hbm>>
    %dma_start3A_349 = tpu.memref_squeeze %dma_start3A_348 : memref<1x200x64xf32, #tpu.memory_space<hbm>> -> memref<200x64xf32, #tpu.memory_space<hbm>>
    %dma_start3A_350 = arith.constant 0 : i32
    %dma_start3A_351 = arith.constant 0 : i32
    %dma_start3A_352 = tpu.memref_slice %arg4[%add3A_345, %dma_start3A_350, %dma_start3A_351] : memref<4096x200x64xf32, #tpu.memory_space<hbm>> -> memref<1x200x64xf32, #tpu.memory_space<hbm>>
    %dma_start3A_353 = tpu.memref_squeeze %dma_start3A_352 : memref<1x200x64xf32, #tpu.memory_space<hbm>> -> memref<200x64xf32, #tpu.memory_space<hbm>>
    tpu.enqueue_dma source(%arg8 : memref<200x64xf32, #tpu.memory_space<vmem>>) target(%dma_start3A_353 : memref<200x64xf32, #tpu.memory_space<hbm>>) target_semaphore(%arg24 : memref<!tpu.dma_semaphore, #tpu.memory_space<semaphore_mem>>)
    %dma_wait3A_354 = arith.constant 0 : i32
    %dma_wait3A_355 = arith.constant 0 : i32
    %dma_wait3A_356 = tpu.memref_slice %arg4[%mul3A_2, %dma_wait3A_354, %dma_wait3A_355] : memref<4096x200x64xf32, #tpu.memory_space<hbm>> -> memref<1x200x64xf32, #tpu.memory_space<hbm>>
    %dma_wait3A_357 = tpu.memref_squeeze %dma_wait3A_356 : memref<1x200x64xf32, #tpu.memory_space<hbm>> -> memref<200x64xf32, #tpu.memory_space<hbm>>
    %dma_wait3A_358 = arith.constant 0 : i32
    %dma_wait3A_359 = arith.constant 0 : i32
    %dma_wait3A_360 = tpu.memref_slice %arg4[%mul3A_2, %dma_wait3A_358, %dma_wait3A_359] : memref<4096x200x64xf32, #tpu.memory_space<hbm>> -> memref<1x200x64xf32, #tpu.memory_space<hbm>>
    %dma_wait3A_361 = tpu.memref_squeeze %dma_wait3A_360 : memref<1x200x64xf32, #tpu.memory_space<hbm>> -> memref<200x64xf32, #tpu.memory_space<hbm>>
    tpu.wait_dma2 semaphore(%arg29 : memref<!tpu.dma_semaphore, #tpu.memory_space<semaphore_mem>>) src(%arg13 : memref<200x64xf32, #tpu.memory_space<vmem>>) dst(%dma_wait3A_361 : memref<200x64xf32, #tpu.memory_space<hbm>>)
    %dma_start3A_362 = arith.constant 127 : i32
    %dma_start3A_363 = arith.constant 0 : i32
    %dma_start3A_364 = tpu.memref_slice %arg5[%dma_start3A_362, %dma_start3A_363] : memref<128x200xi32, #tpu.memory_space<vmem>> -> memref<1x200xi32, #tpu.memory_space<vmem>>
    %dma_start3A_365 = tpu.memref_squeeze %dma_start3A_364 : memref<1x200xi32, #tpu.memory_space<vmem>> -> memref<200xi32, #tpu.memory_space<vmem>>
    %dma_start3A_366 = arith.constant 0 : i32
    %dma_start3A_367 = arith.constant 0 : i32
    %dma_start3A_368 = tpu.memref_slice %arg2[%dma_start3A_366, %dma_start3A_367] : memref<1000000x64xf32, #tpu.memory_space<hbm>> -> memref<1000000x64xf32, #tpu.memory_space<hbm>>
    tpu.enqueue_indirect_dma source(%dma_start3A_368 : memref<1000000x64xf32, #tpu.memory_space<hbm>>) target(%arg13 : memref<200x64xf32, #tpu.memory_space<vmem>>) offsets(%dma_start3A_365 : memref<200xi32, #tpu.memory_space<vmem>>) semaphore(%arg21 : memref<!tpu.dma_semaphore, #tpu.memory_space<semaphore_mem>>)
    %dma_wait3A_369 = arith.constant 0 : i32
    %dma_wait3A_370 = arith.constant 0 : i32
    %dma_wait3A_371 = tpu.memref_slice %arg5[%dma_wait3A_369, %dma_wait3A_370] : memref<128x200xi32, #tpu.memory_space<vmem>> -> memref<1x200xi32, #tpu.memory_space<vmem>>
    %dma_wait3A_372 = tpu.memref_squeeze %dma_wait3A_371 : memref<1x200xi32, #tpu.memory_space<vmem>> -> memref<200xi32, #tpu.memory_space<vmem>>
    %dma_wait3A_373 = arith.constant 0 : i32
    %dma_wait3A_374 = arith.constant 0 : i32
    %dma_wait3A_375 = tpu.memref_slice %arg2[%dma_wait3A_373, %dma_wait3A_374] : memref<1000000x64xf32, #tpu.memory_space<hbm>> -> memref<1000000x64xf32, #tpu.memory_space<hbm>>
    tpu.wait_indirect_dma semaphore(%arg17 : memref<!tpu.dma_semaphore, #tpu.memory_space<semaphore_mem>>) src(%dma_wait3A_375 : memref<1000000x64xf32, #tpu.memory_space<hbm>>) dst(%arg9 : memref<200x64xf32, #tpu.memory_space<vmem>>)
    %add3A_376 = arith.constant 123 : i32
    %add3A_377 = arith.addi %mul3A_2, %add3A_376 : i32
    %dma_start3A_378 = arith.constant 0 : i32
    %dma_start3A_379 = arith.constant 0 : i32
    %dma_start3A_380 = tpu.memref_slice %arg4[%add3A_377, %dma_start3A_378, %dma_start3A_379] : memref<4096x200x64xf32, #tpu.memory_space<hbm>> -> memref<1x200x64xf32, #tpu.memory_space<hbm>>
    %dma_start3A_381 = tpu.memref_squeeze %dma_start3A_380 : memref<1x200x64xf32, #tpu.memory_space<hbm>> -> memref<200x64xf32, #tpu.memory_space<hbm>>
    %dma_start3A_382 = arith.constant 0 : i32
    %dma_start3A_383 = arith.constant 0 : i32
    %dma_start3A_384 = tpu.memref_slice %arg4[%add3A_377, %dma_start3A_382, %dma_start3A_383] : memref<4096x200x64xf32, #tpu.memory_space<hbm>> -> memref<1x200x64xf32, #tpu.memory_space<hbm>>
    %dma_start3A_385 = tpu.memref_squeeze %dma_start3A_384 : memref<1x200x64xf32, #tpu.memory_space<hbm>> -> memref<200x64xf32, #tpu.memory_space<hbm>>
    tpu.enqueue_dma source(%arg9 : memref<200x64xf32, #tpu.memory_space<vmem>>) target(%dma_start3A_385 : memref<200x64xf32, #tpu.memory_space<hbm>>) target_semaphore(%arg25 : memref<!tpu.dma_semaphore, #tpu.memory_space<semaphore_mem>>)
    %dma_wait3A_386 = arith.constant 0 : i32
    %dma_wait3A_387 = arith.constant 0 : i32
    %dma_wait3A_388 = tpu.memref_slice %arg5[%dma_wait3A_386, %dma_wait3A_387] : memref<128x200xi32, #tpu.memory_space<vmem>> -> memref<1x200xi32, #tpu.memory_space<vmem>>
    %dma_wait3A_389 = tpu.memref_squeeze %dma_wait3A_388 : memref<1x200xi32, #tpu.memory_space<vmem>> -> memref<200xi32, #tpu.memory_space<vmem>>
    %dma_wait3A_390 = arith.constant 0 : i32
    %dma_wait3A_391 = arith.constant 0 : i32
    %dma_wait3A_392 = tpu.memref_slice %arg2[%dma_wait3A_390, %dma_wait3A_391] : memref<1000000x64xf32, #tpu.memory_space<hbm>> -> memref<1000000x64xf32, #tpu.memory_space<hbm>>
    tpu.wait_indirect_dma semaphore(%arg18 : memref<!tpu.dma_semaphore, #tpu.memory_space<semaphore_mem>>) src(%dma_wait3A_392 : memref<1000000x64xf32, #tpu.memory_space<hbm>>) dst(%arg10 : memref<200x64xf32, #tpu.memory_space<vmem>>)
    %add3A_393 = arith.constant 124 : i32
    %add3A_394 = arith.addi %mul3A_2, %add3A_393 : i32
    %dma_start3A_395 = arith.constant 0 : i32
    %dma_start3A_396 = arith.constant 0 : i32
    %dma_start3A_397 = tpu.memref_slice %arg4[%add3A_394, %dma_start3A_395, %dma_start3A_396] : memref<4096x200x64xf32, #tpu.memory_space<hbm>> -> memref<1x200x64xf32, #tpu.memory_space<hbm>>
    %dma_start3A_398 = tpu.memref_squeeze %dma_start3A_397 : memref<1x200x64xf32, #tpu.memory_space<hbm>> -> memref<200x64xf32, #tpu.memory_space<hbm>>
    %dma_start3A_399 = arith.constant 0 : i32
    %dma_start3A_400 = arith.constant 0 : i32
    %dma_start3A_401 = tpu.memref_slice %arg4[%add3A_394, %dma_start3A_399, %dma_start3A_400] : memref<4096x200x64xf32, #tpu.memory_space<hbm>> -> memref<1x200x64xf32, #tpu.memory_space<hbm>>
    %dma_start3A_402 = tpu.memref_squeeze %dma_start3A_401 : memref<1x200x64xf32, #tpu.memory_space<hbm>> -> memref<200x64xf32, #tpu.memory_space<hbm>>
    tpu.enqueue_dma source(%arg10 : memref<200x64xf32, #tpu.memory_space<vmem>>) target(%dma_start3A_402 : memref<200x64xf32, #tpu.memory_space<hbm>>) target_semaphore(%arg26 : memref<!tpu.dma_semaphore, #tpu.memory_space<semaphore_mem>>)
    %dma_wait3A_403 = arith.constant 0 : i32
    %dma_wait3A_404 = arith.constant 0 : i32
    %dma_wait3A_405 = tpu.memref_slice %arg5[%dma_wait3A_403, %dma_wait3A_404] : memref<128x200xi32, #tpu.memory_space<vmem>> -> memref<1x200xi32, #tpu.memory_space<vmem>>
    %dma_wait3A_406 = tpu.memref_squeeze %dma_wait3A_405 : memref<1x200xi32, #tpu.memory_space<vmem>> -> memref<200xi32, #tpu.memory_space<vmem>>
    %dma_wait3A_407 = arith.constant 0 : i32
    %dma_wait3A_408 = arith.constant 0 : i32
    %dma_wait3A_409 = tpu.memref_slice %arg2[%dma_wait3A_407, %dma_wait3A_408] : memref<1000000x64xf32, #tpu.memory_space<hbm>> -> memref<1000000x64xf32, #tpu.memory_space<hbm>>
    tpu.wait_indirect_dma semaphore(%arg19 : memref<!tpu.dma_semaphore, #tpu.memory_space<semaphore_mem>>) src(%dma_wait3A_409 : memref<1000000x64xf32, #tpu.memory_space<hbm>>) dst(%arg11 : memref<200x64xf32, #tpu.memory_space<vmem>>)
    %add3A_410 = arith.constant 125 : i32
    %add3A_411 = arith.addi %mul3A_2, %add3A_410 : i32
    %dma_start3A_412 = arith.constant 0 : i32
    %dma_start3A_413 = arith.constant 0 : i32
    %dma_start3A_414 = tpu.memref_slice %arg4[%add3A_411, %dma_start3A_412, %dma_start3A_413] : memref<4096x200x64xf32, #tpu.memory_space<hbm>> -> memref<1x200x64xf32, #tpu.memory_space<hbm>>
    %dma_start3A_415 = tpu.memref_squeeze %dma_start3A_414 : memref<1x200x64xf32, #tpu.memory_space<hbm>> -> memref<200x64xf32, #tpu.memory_space<hbm>>
    %dma_start3A_416 = arith.constant 0 : i32
    %dma_start3A_417 = arith.constant 0 : i32
    %dma_start3A_418 = tpu.memref_slice %arg4[%add3A_411, %dma_start3A_416, %dma_start3A_417] : memref<4096x200x64xf32, #tpu.memory_space<hbm>> -> memref<1x200x64xf32, #tpu.memory_space<hbm>>
    %dma_start3A_419 = tpu.memref_squeeze %dma_start3A_418 : memref<1x200x64xf32, #tpu.memory_space<hbm>> -> memref<200x64xf32, #tpu.memory_space<hbm>>
    tpu.enqueue_dma source(%arg11 : memref<200x64xf32, #tpu.memory_space<vmem>>) target(%dma_start3A_419 : memref<200x64xf32, #tpu.memory_space<hbm>>) target_semaphore(%arg27 : memref<!tpu.dma_semaphore, #tpu.memory_space<semaphore_mem>>)
    %dma_wait3A_420 = arith.constant 0 : i32
    %dma_wait3A_421 = arith.constant 0 : i32
    %dma_wait3A_422 = tpu.memref_slice %arg5[%dma_wait3A_420, %dma_wait3A_421] : memref<128x200xi32, #tpu.memory_space<vmem>> -> memref<1x200xi32, #tpu.memory_space<vmem>>
    %dma_wait3A_423 = tpu.memref_squeeze %dma_wait3A_422 : memref<1x200xi32, #tpu.memory_space<vmem>> -> memref<200xi32, #tpu.memory_space<vmem>>
    %dma_wait3A_424 = arith.constant 0 : i32
    %dma_wait3A_425 = arith.constant 0 : i32
    %dma_wait3A_426 = tpu.memref_slice %arg2[%dma_wait3A_424, %dma_wait3A_425] : memref<1000000x64xf32, #tpu.memory_space<hbm>> -> memref<1000000x64xf32, #tpu.memory_space<hbm>>
    tpu.wait_indirect_dma semaphore(%arg20 : memref<!tpu.dma_semaphore, #tpu.memory_space<semaphore_mem>>) src(%dma_wait3A_426 : memref<1000000x64xf32, #tpu.memory_space<hbm>>) dst(%arg12 : memref<200x64xf32, #tpu.memory_space<vmem>>)
    %add3A_427 = arith.constant 126 : i32
    %add3A_428 = arith.addi %mul3A_2, %add3A_427 : i32
    %dma_start3A_429 = arith.constant 0 : i32
    %dma_start3A_430 = arith.constant 0 : i32
    %dma_start3A_431 = tpu.memref_slice %arg4[%add3A_428, %dma_start3A_429, %dma_start3A_430] : memref<4096x200x64xf32, #tpu.memory_space<hbm>> -> memref<1x200x64xf32, #tpu.memory_space<hbm>>
    %dma_start3A_432 = tpu.memref_squeeze %dma_start3A_431 : memref<1x200x64xf32, #tpu.memory_space<hbm>> -> memref<200x64xf32, #tpu.memory_space<hbm>>
    %dma_start3A_433 = arith.constant 0 : i32
    %dma_start3A_434 = arith.constant 0 : i32
    %dma_start3A_435 = tpu.memref_slice %arg4[%add3A_428, %dma_start3A_433, %dma_start3A_434] : memref<4096x200x64xf32, #tpu.memory_space<hbm>> -> memref<1x200x64xf32, #tpu.memory_space<hbm>>
    %dma_start3A_436 = tpu.memref_squeeze %dma_start3A_435 : memref<1x200x64xf32, #tpu.memory_space<hbm>> -> memref<200x64xf32, #tpu.memory_space<hbm>>
    tpu.enqueue_dma source(%arg12 : memref<200x64xf32, #tpu.memory_space<vmem>>) target(%dma_start3A_436 : memref<200x64xf32, #tpu.memory_space<hbm>>) target_semaphore(%arg28 : memref<!tpu.dma_semaphore, #tpu.memory_space<semaphore_mem>>)
    %dma_wait3A_437 = arith.constant 0 : i32
    %dma_wait3A_438 = arith.constant 0 : i32
    %dma_wait3A_439 = tpu.memref_slice %arg5[%dma_wait3A_437, %dma_wait3A_438] : memref<128x200xi32, #tpu.memory_space<vmem>> -> memref<1x200xi32, #tpu.memory_space<vmem>>
    %dma_wait3A_440 = tpu.memref_squeeze %dma_wait3A_439 : memref<1x200xi32, #tpu.memory_space<vmem>> -> memref<200xi32, #tpu.memory_space<vmem>>
    %dma_wait3A_441 = arith.constant 0 : i32
    %dma_wait3A_442 = arith.constant 0 : i32
    %dma_wait3A_443 = tpu.memref_slice %arg2[%dma_wait3A_441, %dma_wait3A_442] : memref<1000000x64xf32, #tpu.memory_space<hbm>> -> memref<1000000x64xf32, #tpu.memory_space<hbm>>
    tpu.wait_indirect_dma semaphore(%arg21 : memref<!tpu.dma_semaphore, #tpu.memory_space<semaphore_mem>>) src(%dma_wait3A_443 : memref<1000000x64xf32, #tpu.memory_space<hbm>>) dst(%arg13 : memref<200x64xf32, #tpu.memory_space<vmem>>)
    %add3A_444 = arith.constant 127 : i32
    %add3A_445 = arith.addi %mul3A_2, %add3A_444 : i32
    %dma_start3A_446 = arith.constant 0 : i32
    %dma_start3A_447 = arith.constant 0 : i32
    %dma_start3A_448 = tpu.memref_slice %arg4[%add3A_445, %dma_start3A_446, %dma_start3A_447] : memref<4096x200x64xf32, #tpu.memory_space<hbm>> -> memref<1x200x64xf32, #tpu.memory_space<hbm>>
    %dma_start3A_449 = tpu.memref_squeeze %dma_start3A_448 : memref<1x200x64xf32, #tpu.memory_space<hbm>> -> memref<200x64xf32, #tpu.memory_space<hbm>>
    %dma_start3A_450 = arith.constant 0 : i32
    %dma_start3A_451 = arith.constant 0 : i32
    %dma_start3A_452 = tpu.memref_slice %arg4[%add3A_445, %dma_start3A_450, %dma_start3A_451] : memref<4096x200x64xf32, #tpu.memory_space<hbm>> -> memref<1x200x64xf32, #tpu.memory_space<hbm>>
    %dma_start3A_453 = tpu.memref_squeeze %dma_start3A_452 : memref<1x200x64xf32, #tpu.memory_space<hbm>> -> memref<200x64xf32, #tpu.memory_space<hbm>>
    tpu.enqueue_dma source(%arg13 : memref<200x64xf32, #tpu.memory_space<vmem>>) target(%dma_start3A_453 : memref<200x64xf32, #tpu.memory_space<hbm>>) target_semaphore(%arg29 : memref<!tpu.dma_semaphore, #tpu.memory_space<semaphore_mem>>)
    %dma_wait3A_454 = arith.constant 0 : i32
    %dma_wait3A_455 = arith.constant 0 : i32
    %dma_wait3A_456 = tpu.memref_slice %arg4[%mul3A_2, %dma_wait3A_454, %dma_wait3A_455] : memref<4096x200x64xf32, #tpu.memory_space<hbm>> -> memref<1x200x64xf32, #tpu.memory_space<hbm>>
    %dma_wait3A_457 = tpu.memref_squeeze %dma_wait3A_456 : memref<1x200x64xf32, #tpu.memory_space<hbm>> -> memref<200x64xf32, #tpu.memory_space<hbm>>
    %dma_wait3A_458 = arith.constant 0 : i32
    %dma_wait3A_459 = arith.constant 0 : i32
    %dma_wait3A_460 = tpu.memref_slice %arg4[%mul3A_2, %dma_wait3A_458, %dma_wait3A_459] : memref<4096x200x64xf32, #tpu.memory_space<hbm>> -> memref<1x200x64xf32, #tpu.memory_space<hbm>>
    %dma_wait3A_461 = tpu.memref_squeeze %dma_wait3A_460 : memref<1x200x64xf32, #tpu.memory_space<hbm>> -> memref<200x64xf32, #tpu.memory_space<hbm>>
    tpu.wait_dma2 semaphore(%arg22 : memref<!tpu.dma_semaphore, #tpu.memory_space<semaphore_mem>>) src(%arg6 : memref<200x64xf32, #tpu.memory_space<vmem>>) dst(%dma_wait3A_461 : memref<200x64xf32, #tpu.memory_space<hbm>>)
    %dma_wait3A_462 = arith.constant 0 : i32
    %dma_wait3A_463 = arith.constant 0 : i32
    %dma_wait3A_464 = tpu.memref_slice %arg4[%mul3A_2, %dma_wait3A_462, %dma_wait3A_463] : memref<4096x200x64xf32, #tpu.memory_space<hbm>> -> memref<1x200x64xf32, #tpu.memory_space<hbm>>
    %dma_wait3A_465 = tpu.memref_squeeze %dma_wait3A_464 : memref<1x200x64xf32, #tpu.memory_space<hbm>> -> memref<200x64xf32, #tpu.memory_space<hbm>>
    %dma_wait3A_466 = arith.constant 0 : i32
    %dma_wait3A_467 = arith.constant 0 : i32
    %dma_wait3A_468 = tpu.memref_slice %arg4[%mul3A_2, %dma_wait3A_466, %dma_wait3A_467] : memref<4096x200x64xf32, #tpu.memory_space<hbm>> -> memref<1x200x64xf32, #tpu.memory_space<hbm>>
    %dma_wait3A_469 = tpu.memref_squeeze %dma_wait3A_468 : memref<1x200x64xf32, #tpu.memory_space<hbm>> -> memref<200x64xf32, #tpu.memory_space<hbm>>
    tpu.wait_dma2 semaphore(%arg23 : memref<!tpu.dma_semaphore, #tpu.memory_space<semaphore_mem>>) src(%arg7 : memref<200x64xf32, #tpu.memory_space<vmem>>) dst(%dma_wait3A_469 : memref<200x64xf32, #tpu.memory_space<hbm>>)
    %dma_wait3A_470 = arith.constant 0 : i32
    %dma_wait3A_471 = arith.constant 0 : i32
    %dma_wait3A_472 = tpu.memref_slice %arg4[%mul3A_2, %dma_wait3A_470, %dma_wait3A_471] : memref<4096x200x64xf32, #tpu.memory_space<hbm>> -> memref<1x200x64xf32, #tpu.memory_space<hbm>>
    %dma_wait3A_473 = tpu.memref_squeeze %dma_wait3A_472 : memref<1x200x64xf32, #tpu.memory_space<hbm>> -> memref<200x64xf32, #tpu.memory_space<hbm>>
    %dma_wait3A_474 = arith.constant 0 : i32
    %dma_wait3A_475 = arith.constant 0 : i32
    %dma_wait3A_476 = tpu.memref_slice %arg4[%mul3A_2, %dma_wait3A_474, %dma_wait3A_475] : memref<4096x200x64xf32, #tpu.memory_space<hbm>> -> memref<1x200x64xf32, #tpu.memory_space<hbm>>
    %dma_wait3A_477 = tpu.memref_squeeze %dma_wait3A_476 : memref<1x200x64xf32, #tpu.memory_space<hbm>> -> memref<200x64xf32, #tpu.memory_space<hbm>>
    tpu.wait_dma2 semaphore(%arg24 : memref<!tpu.dma_semaphore, #tpu.memory_space<semaphore_mem>>) src(%arg8 : memref<200x64xf32, #tpu.memory_space<vmem>>) dst(%dma_wait3A_477 : memref<200x64xf32, #tpu.memory_space<hbm>>)
    %dma_wait3A_478 = arith.constant 0 : i32
    %dma_wait3A_479 = arith.constant 0 : i32
    %dma_wait3A_480 = tpu.memref_slice %arg4[%mul3A_2, %dma_wait3A_478, %dma_wait3A_479] : memref<4096x200x64xf32, #tpu.memory_space<hbm>> -> memref<1x200x64xf32, #tpu.memory_space<hbm>>
    %dma_wait3A_481 = tpu.memref_squeeze %dma_wait3A_480 : memref<1x200x64xf32, #tpu.memory_space<hbm>> -> memref<200x64xf32, #tpu.memory_space<hbm>>
    %dma_wait3A_482 = arith.constant 0 : i32
    %dma_wait3A_483 = arith.constant 0 : i32
    %dma_wait3A_484 = tpu.memref_slice %arg4[%mul3A_2, %dma_wait3A_482, %dma_wait3A_483] : memref<4096x200x64xf32, #tpu.memory_space<hbm>> -> memref<1x200x64xf32, #tpu.memory_space<hbm>>
    %dma_wait3A_485 = tpu.memref_squeeze %dma_wait3A_484 : memref<1x200x64xf32, #tpu.memory_space<hbm>> -> memref<200x64xf32, #tpu.memory_space<hbm>>
    tpu.wait_dma2 semaphore(%arg25 : memref<!tpu.dma_semaphore, #tpu.memory_space<semaphore_mem>>) src(%arg9 : memref<200x64xf32, #tpu.memory_space<vmem>>) dst(%dma_wait3A_485 : memref<200x64xf32, #tpu.memory_space<hbm>>)
    %dma_wait3A_486 = arith.constant 0 : i32
    %dma_wait3A_487 = arith.constant 0 : i32
    %dma_wait3A_488 = tpu.memref_slice %arg4[%mul3A_2, %dma_wait3A_486, %dma_wait3A_487] : memref<4096x200x64xf32, #tpu.memory_space<hbm>> -> memref<1x200x64xf32, #tpu.memory_space<hbm>>
    %dma_wait3A_489 = tpu.memref_squeeze %dma_wait3A_488 : memref<1x200x64xf32, #tpu.memory_space<hbm>> -> memref<200x64xf32, #tpu.memory_space<hbm>>
    %dma_wait3A_490 = arith.constant 0 : i32
    %dma_wait3A_491 = arith.constant 0 : i32
    %dma_wait3A_492 = tpu.memref_slice %arg4[%mul3A_2, %dma_wait3A_490, %dma_wait3A_491] : memref<4096x200x64xf32, #tpu.memory_space<hbm>> -> memref<1x200x64xf32, #tpu.memory_space<hbm>>
    %dma_wait3A_493 = tpu.memref_squeeze %dma_wait3A_492 : memref<1x200x64xf32, #tpu.memory_space<hbm>> -> memref<200x64xf32, #tpu.memory_space<hbm>>
    tpu.wait_dma2 semaphore(%arg26 : memref<!tpu.dma_semaphore, #tpu.memory_space<semaphore_mem>>) src(%arg10 : memref<200x64xf32, #tpu.memory_space<vmem>>) dst(%dma_wait3A_493 : memref<200x64xf32, #tpu.memory_space<hbm>>)
    %dma_wait3A_494 = arith.constant 0 : i32
    %dma_wait3A_495 = arith.constant 0 : i32
    %dma_wait3A_496 = tpu.memref_slice %arg4[%mul3A_2, %dma_wait3A_494, %dma_wait3A_495] : memref<4096x200x64xf32, #tpu.memory_space<hbm>> -> memref<1x200x64xf32, #tpu.memory_space<hbm>>
    %dma_wait3A_497 = tpu.memref_squeeze %dma_wait3A_496 : memref<1x200x64xf32, #tpu.memory_space<hbm>> -> memref<200x64xf32, #tpu.memory_space<hbm>>
    %dma_wait3A_498 = arith.constant 0 : i32
    %dma_wait3A_499 = arith.constant 0 : i32
    %dma_wait3A_500 = tpu.memref_slice %arg4[%mul3A_2, %dma_wait3A_498, %dma_wait3A_499] : memref<4096x200x64xf32, #tpu.memory_space<hbm>> -> memref<1x200x64xf32, #tpu.memory_space<hbm>>
    %dma_wait3A_501 = tpu.memref_squeeze %dma_wait3A_500 : memref<1x200x64xf32, #tpu.memory_space<hbm>> -> memref<200x64xf32, #tpu.memory_space<hbm>>
    tpu.wait_dma2 semaphore(%arg27 : memref<!tpu.dma_semaphore, #tpu.memory_space<semaphore_mem>>) src(%arg11 : memref<200x64xf32, #tpu.memory_space<vmem>>) dst(%dma_wait3A_501 : memref<200x64xf32, #tpu.memory_space<hbm>>)
    %dma_wait3A_502 = arith.constant 0 : i32
    %dma_wait3A_503 = arith.constant 0 : i32
    %dma_wait3A_504 = tpu.memref_slice %arg4[%mul3A_2, %dma_wait3A_502, %dma_wait3A_503] : memref<4096x200x64xf32, #tpu.memory_space<hbm>> -> memref<1x200x64xf32, #tpu.memory_space<hbm>>
    %dma_wait3A_505 = tpu.memref_squeeze %dma_wait3A_504 : memref<1x200x64xf32, #tpu.memory_space<hbm>> -> memref<200x64xf32, #tpu.memory_space<hbm>>
    %dma_wait3A_506 = arith.constant 0 : i32
    %dma_wait3A_507 = arith.constant 0 : i32
    %dma_wait3A_508 = tpu.memref_slice %arg4[%mul3A_2, %dma_wait3A_506, %dma_wait3A_507] : memref<4096x200x64xf32, #tpu.memory_space<hbm>> -> memref<1x200x64xf32, #tpu.memory_space<hbm>>
    %dma_wait3A_509 = tpu.memref_squeeze %dma_wait3A_508 : memref<1x200x64xf32, #tpu.memory_space<hbm>> -> memref<200x64xf32, #tpu.memory_space<hbm>>
    tpu.wait_dma2 semaphore(%arg28 : memref<!tpu.dma_semaphore, #tpu.memory_space<semaphore_mem>>) src(%arg12 : memref<200x64xf32, #tpu.memory_space<vmem>>) dst(%dma_wait3A_509 : memref<200x64xf32, #tpu.memory_space<hbm>>)
    %dma_wait3A_510 = arith.constant 0 : i32
    %dma_wait3A_511 = arith.constant 0 : i32
    %dma_wait3A_512 = tpu.memref_slice %arg4[%mul3A_2, %dma_wait3A_510, %dma_wait3A_511] : memref<4096x200x64xf32, #tpu.memory_space<hbm>> -> memref<1x200x64xf32, #tpu.memory_space<hbm>>
    %dma_wait3A_513 = tpu.memref_squeeze %dma_wait3A_512 : memref<1x200x64xf32, #tpu.memory_space<hbm>> -> memref<200x64xf32, #tpu.memory_space<hbm>>
    %dma_wait3A_514 = arith.constant 0 : i32
    %dma_wait3A_515 = arith.constant 0 : i32
    %dma_wait3A_516 = tpu.memref_slice %arg4[%mul3A_2, %dma_wait3A_514, %dma_wait3A_515] : memref<4096x200x64xf32, #tpu.memory_space<hbm>> -> memref<1x200x64xf32, #tpu.memory_space<hbm>>
    %dma_wait3A_517 = tpu.memref_squeeze %dma_wait3A_516 : memref<1x200x64xf32, #tpu.memory_space<hbm>> -> memref<200x64xf32, #tpu.memory_space<hbm>>
    tpu.wait_dma2 semaphore(%arg29 : memref<!tpu.dma_semaphore, #tpu.memory_space<semaphore_mem>>) src(%arg13 : memref<200x64xf32, #tpu.memory_space<vmem>>) dst(%dma_wait3A_517 : memref<200x64xf32, #tpu.memory_space<hbm>>)
    return
  }
}

</mosaic_0001>

<sc_bundles>
// kernel: kernel.3.cloned.1.call-start
scs
__scs_entry_jumppad:
0x0: {  	(pc) =	sbr.rel $0x88, $3  }
0x1: {  	(tag) =	ssettag $0x0;
	lr =	simm.s32 $0x1  }
0x2: {  	[smem:$0x3F9F] =	sst lr;
	_ =	strace $0xD0000000  }
0x3: {  	_ = 	snop  }
0x4: {  	_ = 	snop  }
0x5: {  	_ = 	snop  }
0x6: {  	_ = 	snop  }
0x7: {  	_ = 	snop  }
__scs_overlays_trampoline_lowered:
0x8: {  	[smem:$0x3FAE] =	sst s0  }
0x9: {  	[smem:$0x3FAF] =	sst s1  }
0xa: {  	[smem:$0x3FB0] =	sst s2  }
0xb: {  	[smem:$0x3FB1] =	sst s3  }
0xc: {  	[smem:$0x3FB2] =	sst s4  }
0xd: {  	[smem:$0x3FB3] =	sst s5  }
0xe: {  	[smem:$0x3FB4] =	sst s6  }
0xf: {  	[smem:$0x3FB5] =	sst s7  }
0x10: {  	[smem:$0x3FB6] =	sst s8  }
0x11: {  	[smem:$0x3FB7] =	sst s9;
	s0 =	simm.s32 @!p0 $0x0  }
0x12: {  	s1 =	sld [smem:$0x3F9D];
	s0 =	simm.s32 @p0 $0x1  }
0x13: {  	[smem:$0x3FB8] =	sst s0;
	s0 =	simm.s32 @!p1 $0x0  }
0x14: {  	s2 =	sld [smem:$0x3F9C];
	s0 =	simm.s32 @p1 $0x1  }
0x15: {  	[smem:$0x3FB9] =	sst s0;
	s0 =	simm.s32 @!p2 $0x0  }
0x16: {  	s3 =	sld [smem:$0x3FDB];
	s0 =	simm.s32 @p2 $0x1  }
0x17: {  	s4 =	simm.s32 $0x1BF5;
	[smem:$0x3FBB] =	sst s0  }
0x18: {  	s0 =	sld [smem:$0x3F9E];
	_ =	swait.ge [sflag:s4], $0x0  }
0x19: {  	s7 =	sld [smem:$0x3F9F]  }
0x1a: {  	s8 =	sadd.s32 $0xFFFFE003, lr  }
0x1b: {  	s9 =	sadd.s32 $0xFFFFFEF7, lr;
	s5 =	simm.s32 $0xFFFFFFFF;
	p2 =	slt.u32 s8, $0xFFFFF086  }
0x1c: {  	p1 =	slt.u32 s9, $0xF7A;
	s5 =	simm.s32 @!p2 $0x0  }
0x1d: {  	s5 =	simm.s32 @p1 $0x1;
	p0 =	seq.s32 s7, s2  }
0x1e: {  	s7 =	smul.u32 @!p0 $0xF7A, s2;
	p2 =	seq.s32 @!p0 s5, $0x0  }
0x1f: {  	s9 =	smul.u32 $0xF7A, s1;
	s8 =	simm.s32 @!p0 $0x1BF5;
	p2 =	por !p2, p0  }
0x20: {  	[sflag:s8] =	ssyncset.s32 @!p0 $0xFFFFF086;
	s6 =	sadd.s32 @!p0 s3, s7;
	s7 =	simm.s32 @!p0 $0x108  }
0x21: {  	s3 =	sadd.s32 s3, s9;
	s6 =	sadd.s32 @!p0 $0x88, s6;
	s7 =	simm.s32 @p2 $0x1082  }
0x22: {  	[simem:s7], [sflag:s8] =	dma.local @!p0 [hbm:s6], $0xF7A  }
0x23: {  	s9 =	sor.u32 $0xD0000000, s2;
	s6 =	simm.s32 $0x108;
	_ =	swait.ge @!p0 [sflag:s8], $0x0  }
0x24: {  	s3 =	sadd.s32 $0x88, s3;
	s6 =	simm.s32 @!p1 $0x1082;
	[sflag:s4] =	ssyncset.s32 $0xFFFFF086  }
0x25: {  	[simem:s6], [sflag:s4] =	dma.local [hbm:s3], $0xF7A  }
0x26: {  	[smem:$0x3F9F] =	sst s1;
	(tag) =	ssettag s2;
	_ =	strace s9  }
0x27: {  	s1 =	sld [smem:$0x3FAF]  }
0x28: {  	s2 =	sld [smem:$0x3FB0]  }
0x29: {  	s4 =	sld [smem:$0x3FB2]  }
0x2a: {  	p0 =	seq.s32 s5, $0x0;
	s5 =	sld [smem:$0x3FB3]  }
0x2b: {  	s6 =	sld [smem:$0x3FB4]  }
0x2c: {  	s7 =	sld [smem:$0x3FB5]  }
0x2d: {  	s3 =	simm.s32 $0x108;
	s8 =	sld [smem:$0x3FB6]  }
0x2e: {  	s3 =	simm.s32 @!p0 $0x1082;
	s9 =	sld [smem:$0x3FB7]  }
0x2f: {  	lr =	sadd.s32 s0, s3;
	s0 =	sld [smem:$0x3FAE]  }
0x30: {  	s3 =	sld [smem:$0x3FB1]  }
0x31: {  	[smem:$0x3FBA] =	sst s10  }
0x32: {  	s10 =	sld [smem:$0x3FB8];
	_ =	sdelay $0x3  }
0x33: {  	p0 =	seq.s32 s10, $0x1;
	s10 =	sld [smem:$0x3FBA];
	_ =	sdelay $0x3  }
0x34: {  	[smem:$0x3FBA] =	sst s10  }
0x35: {  	s10 =	sld [smem:$0x3FB9];
	_ =	sdelay $0x3  }
0x36: {  	p1 =	seq.s32 s10, $0x1;
	s10 =	sld [smem:$0x3FBA];
	_ =	sdelay $0x3  }
0x37: {  	[smem:$0x3FBA] =	sst s10  }
0x38: {  	s10 =	sld [smem:$0x3FBB]  }
0x39: {  	_ = 	snop;
	(pc) =	sbr.ind lr, $3  }
0x3a: {  	_ = 	snop  }
0x3b: {  	_ = 	snop  }
0x3c: {  	p2 =	seq.s32 s10, $0x1;
	s10 =	sld [smem:$0x3FBA]  }
0x3d: {  	_ =	shalt  }
0x3e: {  	_ =	shalt  }
0x3f: {  	_ =	shalt  }
0x40: {  	_ =	shalt  }
0x41: {  	_ =	shalt  }
0x42: {  	_ =	shalt  }
0x43: {  	_ =	shalt  }
0x44: {  	_ =	shalt  }
0x45: {  	_ =	shalt  }
0x46: {  	_ =	shalt  }
0x47: {  	_ =	shalt  }
0x48: {  	_ =	shalt  }
0x49: {  	_ =	shalt  }
0x4a: {  	_ =	shalt  }
0x4b: {  	_ =	shalt  }
0x4c: {  	_ =	shalt  }
0x4d: {  	_ =	shalt  }
0x4e: {  	_ =	shalt  }
0x4f: {  	_ =	shalt  }
0x50: {  	_ =	shalt  }
0x51: {  	_ =	shalt  }
0x52: {  	_ =	shalt  }
0x53: {  	_ =	shalt  }
0x54: {  	_ =	shalt  }
0x55: {  	_ =	shalt  }
0x56: {  	_ =	shalt  }
0x57: {  	_ =	shalt  }
0x58: {  	_ =	shalt  }
0x59: {  	_ =	shalt  }
0x5a: {  	_ =	shalt  }
0x5b: {  	_ =	shalt  }
0x5c: {  	_ =	shalt  }
0x5d: {  	_ =	shalt  }
0x5e: {  	_ =	shalt  }
0x5f: {  	_ =	shalt  }
0x60: {  	_ =	shalt  }
0x61: {  	_ =	shalt  }
0x62: {  	_ =	shalt  }
0x63: {  	_ =	shalt  }
0x64: {  	_ =	shalt  }
0x65: {  	_ =	shalt  }
0x66: {  	_ =	shalt  }
0x67: {  	_ =	shalt  }
0x68: {  	_ =	shalt  }
0x69: {  	_ =	shalt  }
0x6a: {  	_ =	shalt  }
0x6b: {  	_ =	shalt  }
0x6c: {  	_ =	shalt  }
0x6d: {  	_ =	shalt  }
0x6e: {  	_ =	shalt  }
0x6f: {  	_ =	shalt  }
0x70: {  	_ =	shalt  }
0x71: {  	_ =	shalt  }
0x72: {  	_ =	shalt  }
0x73: {  	_ =	shalt  }
0x74: {  	_ =	shalt  }
0x75: {  	_ =	shalt  }
0x76: {  	_ =	shalt  }
0x77: {  	_ =	shalt  }
0x78: {  	_ =	shalt  }
0x79: {  	_ =	shalt  }
0x7a: {  	_ =	shalt  }
0x7b: {  	_ =	shalt  }
0x7c: {  	_ =	shalt  }
0x7d: {  	_ =	shalt  }
0x7e: {  	_ =	shalt  }
0x7f: {  	_ =	shalt  }
0x80: {  	_ =	shalt  }
0x81: {  	_ =	shalt  }
0x82: {  	_ =	shalt  }
0x83: {  	_ =	shalt  }
0x84: {  	_ =	shalt  }
0x85: {  	_ =	shalt  }
0x86: {  	_ =	shalt  }
0x87: {  	_ =	shalt  }
.Lfunc_end0:
.L_simem_size_0:
called_computation.1_lowered:
.L_overlay_start_0:
0x88: {  	s2 =	sld [smem:$0x3FD9]  }
0x89: {  	s3 =	sld [smem:$0x3FFE];
	_ =	sdelay $0x1  }
0x8a: {  	s1 =	srdreg.scid  }
0x8b: {  	s0 =	sand.u32 $0x1, s1  }
0x8c: {  	s17 =	sshll.u32 s0, $0xA;
	s2 =	sadd.s32 s3, s2  }
0x8d: {  	s2 =	sadd.s32 s2, s17  }
0x8e: {  	[smem:$0x3FC6] =	sst s2  }
0x8f: {  	_ = 	snop  }
0x90: {  	s2 =	sld [smem:$0x3FD0];
	(tm) =	ssettm $0x1  }
0x91: {  	s18 =	sld [smem:$0x3FFB];
	_ =	sdelay $0x3  }
0x92: {  	_ =	strace s18  }
0x93: {  	s3 =	sld [smem:$0x3FFC];
	_ =	sdelay $0x3  }
0x94: {  	_ =	strace s3  }
0x95: {  	s3 =	sld [smem:$0x3FFD];
	_ =	sdelay $0x3  }
0x96: {  	_ =	strace s3  }
0x97: {  	_ =	strace $0x8FFFFFFF  }
0x98: {  	s19 =	sld [smem:$0x3FDB];
	_ =	sdelay $0x1  }
0x99: {  	s4 =	simm.s32 $_scs_section_size  }
0x9a: {  	s5 =	simm.s32 $_size__tile_overlayer_lowered;
	s6 =	simm.s32 $_tile_overlayer_lowered  }
0x9b: {  	s22 =	simm.s32 $0x1BFF;
	s21 =	sshll.u32 s6, $0x1;
	s3 =	sadd.s32 s4, s19  }
0x9c: {  	s7 =	simm.s32 $0x0;
	s20 =	sshll.u32 s5, $0x1;
	s5 =	sadd.s32 s21, s3  }
0x9d: {  	[timem:s7], [sflag:s22] =	dma.local [hbm:s5], s20  }
0x9e: {  	_ =	swait.ge [sflag:s22], s20  }
0x9f: {  	s4 =	ssub.s32 $0x0, s20;
	[sflag:s22] =	ssyncset.done $0x0  }
0xa0: {  	[sflag:s22] =	ssyncadd.s32 s4;
	_ =	sdelay $0x1  }
0xa1: {  	s23 =	simm.s32 $0x1B8B  }
0xa2: {  	_ =	swait.ge [sflag:s23], $0x1  }
0xa3: {  	[sflag:s23] =	ssyncset.done $0x0  }
0xa4: {  	s25 =	simm.s32 $0x1B8E;
	s24 =	sld [smem:$0x3FFE];
	[sflag:s23] =	ssyncadd.s32 $0xFFFFFFFF  }
0xa5: {  	s26 =	simm.s32 $execute0_lowered;
	[smem:$0x3FD2] =	sst s25  }
0xa6: {  	s5 =	sshll.u32 s26, $0x1;
	_ =	strace $0x80000046;
	[dreg:$0x1] =	wrdreg $0xFFFFFFFF  }
0xa7: {  	s28 =	simm.s32 $_size_execute0_lowered;
	s3 =	sadd.s32 s3, s5;
	[dreg:$0x0] =	wrdreg $0x0  }
0xa8: {  	s5 =	sshll.u32 s28, $0x1;
	[dreg:$0x2] =	wrdreg s3  }
0xa9: {  	[dreg:$0x3] =	wrdreg s5  }
0xaa: {  	[dreg:$0x4] =	wrdreg $0xC0  }
0xab: {  	_ =	task [dreg:s7], $0x5FFFF  }
0xac: {  	[dreg:$0x1] =	wrdreg $0xFFFFFFFF  }
0xad: {  	[dreg:$0x0] =	wrdreg $0x60  }
0xae: {  	[dreg:$0x2] =	wrdreg s24  }
0xaf: {  	[dreg:$0x3] =	wrdreg s2  }
0xb0: {  	[dreg:$0x4] =	wrdreg $0x9  }
0xb1: {  	_ =	task.clear_ibuf [dreg:s7], $0x5FFFF;
	_ =	strace $0x90000046  }
0xb2: {  	s29 =	simm.s32 $0x9;
	_ =	strace $0x80000048  }
0xb3: {  	_ =	swait.ge [sflag:s29], $0x1  }
0xb4: {  	[sflag:s29] =	ssyncadd.s32 $0xFFFFFFFF  }
0xb5: {  	_ =	strace $0x90000048  }
0xb6: {  	_ =	sfence  }
0xb7: {  	s30 =	sld [smem:$0x0];
	_ =	sdelay $0x2  }
0xb8: {  	s31 =	sshll.u32 s1, $0xD;
	s1 =	sshrl.u32 s1, $0x2  }
0xb9: {  	s3 =	sand.u32 $0x4000, s31;
	s1 =	sadd.s32 s1, s30  }
0xba: {  	s0 =	sor.u32 s3, s0;
	s1 =	sshll.u32 s1, $0x11  }
0xbb: {  	s0 =	sor.u32 s1, s0  }
0xbc: {  	s0 =	sadd.s32 $0x8F2B, s0  }
0xbd: {  	[sflag:s0] =	ssyncadd.remote.s32 $0x1  }
0xbe: {  	_ =	sfence.sel $0xFFFF  }
0xbf: {  	[dreg:$0x0] =	wrdreg $0xFFFFFFFF;
	(pc) =	sbr.abs _section_cstart, $3  }
0xc0: {  	[dreg:$0x1] =	wrdreg $0xFFFFFFFF  }
0xc1: {  	_ =	task.clear_ibuf [dreg:s7], $0x2FFFF;
	_ =	strace $0x9FFFFFFF  }
0xc2: {  	(tm) =	ssettm $0x7FFFFFFF  }
0xc3: {  	_ =	shalt  }
tec
execute0_lowered:
.L_overlay_start_1:
0x0: {  	(tag) =	ssettag $0x1  }
0x1: {  	s0 =	srdreg.scid;
	s1 =	rddreg [dreg:$0x0]  }
0x2: {  	s9 =	stileid.u32;
	s4 =	rddreg [dreg:$0x1];
	s2 =	simm.s32 $0x0  }
0x3: {  	s29 =	simm.s32 $0xC800;
	s31 =	simm.s32 $0xFA00;
	s0 =	sand.u32 $0x1, s0  }
0x4: {  	s28 =	simm.s32 $0x1;
	s3 =	sshll.u32 s9, $0x8;
	s5 =	sshll.u32 s0, $0x7  }
0x5: {  	s30 =	simm.s32 $0x2;
	s21 =	smul.u32 $0x64000, s9;
	s5 =	sor.u32 s5, s3  }
0x6: {  	[smem:$0x7FF] =	sst s2;
	s9 =	simm.s32 $0x9;
	s6 =	smul.u32 $0x19, s5  }
0x7: {  	_ =	strace $0x80000047;
	s26 =	ssub.s32 $0x2, s0;
	s7 =	smul.u32 $0x640, s5  }
0x8: {  	s0 =	smul.u32 $0x32000, s0;
	s3 =	sadd.s32 $0xF42E00, s1;
	s8 =	sshrl.u32 s26, $0x1  }
0x9: {  	s5 =	smul.u32 $0x3200, s5;
	s1 =	sadd.s32 s6, s1;
	s7 =	sadd.s32 s4, s7  }
0xa: {  	s6 =	ssub.s32 s26, s8;
	s1 =	sadd.s32 $0xA00, s1;
	[dreg:$0x3] =	wrdreg s7  }
0xb: {  	s13 =	sshrl.u32 s5, $0x3;
	s10 =	sadd.s32 $0x640, s7;
	[dreg:$0x4] =	wrdreg s1  }
0xc: {  	s5 =	simm.s32 $0x19000;
	s11 =	sadd.s32 $0xC80, s7;
	[dreg:$0x5] =	wrdreg s10  }
0xd: {  	s8 =	simm.s32 $0x4;
	s12 =	sadd.s32 $0x12C0, s7;
	[dreg:$0x6] =	wrdreg s11  }
0xe: {  	s14 =	sadd.s32 $0x1900, s7;
	s15 =	sadd.s32 $0x1F40, s7;
	[dreg:$0x7] =	wrdreg s12  }
0xf: {  	s26 =	smax.u32 s6, $0x1;
	s6 =	simm.s32 $0x3;
	[dreg:$0x8] =	wrdreg s14  }
0x10: {  	s7 =	simm.s32 $0x1C200;
	[dreg:$0x9] =	wrdreg s15;
	s1 =	sadd.s32 s4, s13  }
0x11: {  	s4 =	sadd.s32 s21, s4;
	[dreg:$0x14] =	wrdreg s26;
	s16 =	sadd.s32 $0x2580, s1  }
0x12: {  	s26 =	simm.s32 $0x9600;
	s17 =	sadd.s32 $0x2BC0, s1;
	[dreg:$0xa] =	wrdreg s16  }
0x13: {  	s10 =	simm.s32 $0x5;
	s18 =	sadd.s32 $0x2EE00, s1;
	[dreg:$0xb] =	wrdreg s17  }
0x14: {  	s11 =	simm.s32 $0xA;
	s19 =	sadd.s32 $0x2F440, s1;
	[dreg:$0xc] =	wrdreg s18  }
0x15: {  	s12 =	simm.s32 $0x6;
	s20 =	sadd.s32 $0x2FA80, s1;
	[dreg:$0xd] =	wrdreg s19  }
0x16: {  	s13 =	simm.s32 $0xB;
	s22 =	sadd.s32 $0x300C0, s1;
	[dreg:$0xe] =	wrdreg s20  }
0x17: {  	s14 =	simm.s32 $0x7;
	s23 =	sadd.s32 $0x30700, s1;
	[dreg:$0xf] =	wrdreg s22  }
0x18: {  	s15 =	simm.s32 $0xC;
	s24 =	sadd.s32 $0x30D40, s1;
	[dreg:$0x10] =	wrdreg s23  }
0x19: {  	s21 =	simm.s32 $0x0;
	s25 =	sadd.s32 $0x31380, s1;
	[dreg:$0x11] =	wrdreg s24  }
0x1a: {  	s1 =	sadd.s32 $0x319C0, s1;
	s0 =	sadd.s32 s0, s4;
	[dreg:$0x12] =	wrdreg s25  }
0x1b: {  	[dreg:$0x13] =	wrdreg s1;
	s0 =	sadd.s32 $0x3200, s0;
	s24 =	simm.s32 $0xC8  }
0x1c: {  	s25 =	simm.s32 $0x6400;
	s1 =	simm.s32 $0x15E00;
	s16 =	simm.s32 $0x8  }
0x1d: {  	s17 =	simm.s32 $0xD;
	s18 =	simm.s32 $0xE;
	s19 =	simm.s32 $0xF  }
0x1e: {  	s20 =	simm.s32 $0x10;
	[dreg:$0x15] =	wrdreg s0;
	s0 =	simm.s32 $0x12C00  }
.LBB2_1:
0x1f: {  	[dreg:$0x16] =	wrdreg s21  }
0x20: {  	s4 =	rddreg [dreg:$0x4];
	s21 =	simm.s32 $0x11  }
0x21: {  	[tilespmem:s2], [sflag:$0x11] =	stream.linear.gather [hbm4b:s4+s2], $0x6400, $0x38;
	[tilespmem:$0x1F400] =	vst v63  }
0x22: {  	_ =	swait.ge [sflag:s21], $0x6400  }
0x23: {  	[sflag:s21] =	ssyncset.done $0x0  }
0x24: {  	[sflag:s21] =	ssyncadd.s32 $0xFFFF9C00  }
0x25: {  	[tilespmem:s25], [sflag:$0x1] =	stream.indirect.gather [hbm4b:s3+s24], $0x40, s2, s24, $0xb8;
	[tilespmem:$0x1F400] =	vst v63  }
0x26: {  	_ = 	snop  }
0x27: {  	[tilespmem:s26], [sflag:$0x2] =	stream.indirect.gather [hbm4b:s3+s24], $0x40, s24, s24, $0xb8;
	[tilespmem:$0x1F400] =	vst v63  }
0x28: {  	s22 =	simm.s32 $0x190  }
0x29: {  	[tilespmem:s29], [sflag:$0x3] =	stream.indirect.gather [hbm4b:s3+s24], $0x40, s22, s24, $0xb8;
	[tilespmem:$0x1F400] =	vst v63  }
0x2a: {  	s23 =	simm.s32 $0x258  }
0x2b: {  	[tilespmem:s31], [sflag:$0x4] =	stream.indirect.gather [hbm4b:s3+s24], $0x40, s23, s24, $0xb8;
	[tilespmem:$0x1F400] =	vst v63  }
0x2c: {  	s21 =	simm.s32 $0x320  }
0x2d: {  	[tilespmem:s0], [sflag:$0x5] =	stream.indirect.gather [hbm4b:s3+s24], $0x40, s21, s24, $0xb8;
	[tilespmem:$0x1F400] =	vst v63  }
0x2e: {  	_ =	swait.ge [sflag:s28], $0x3200  }
0x2f: {  	[sflag:s28] =	ssyncset.done $0x0  }
0x30: {  	s22 =	rddreg [dreg:$0x3];
	[sflag:s28] =	ssyncadd.s32 $0xFFFFCE00  }
0x31: {  	[hbm4b:s22+s2] =	stream.linear.scatter [tilespmem:s25], [sflag:$0x9], $0x3200, $0x38;
	[tilespmem:$0x1F400] =	vst v63  }
0x32: {  	s23 =	simm.s32 $0x3E8  }
0x33: {  	[tilespmem:s1], [sflag:$0x6] =	stream.indirect.gather [hbm4b:s3+s24], $0x40, s23, s24, $0xb8;
	[tilespmem:$0x1F400] =	vst v63  }
0x34: {  	_ =	swait.ge [sflag:s30], $0x3200  }
0x35: {  	[sflag:s30] =	ssyncset.done $0x0  }
0x36: {  	s21 =	rddreg [dreg:$0x5];
	[sflag:s30] =	ssyncadd.s32 $0xFFFFCE00  }
0x37: {  	[hbm4b:s21+s2] =	stream.linear.scatter [tilespmem:s26], [sflag:$0xA], $0x3200, $0x38;
	[tilespmem:$0x1F400] =	vst v63  }
0x38: {  	s22 =	simm.s32 $0x4B0  }
0x39: {  	[tilespmem:s5], [sflag:$0x7] =	stream.indirect.gather [hbm4b:s3+s24], $0x40, s22, s24, $0xb8;
	[tilespmem:$0x1F400] =	vst v63  }
0x3a: {  	_ =	swait.ge [sflag:s6], $0x3200  }
0x3b: {  	[sflag:s6] =	ssyncset.done $0x0  }
0x3c: {  	s23 =	rddreg [dreg:$0x6];
	[sflag:s6] =	ssyncadd.s32 $0xFFFFCE00  }
0x3d: {  	[hbm4b:s23+s2] =	stream.linear.scatter [tilespmem:s29], [sflag:$0xB], $0x3200, $0x38;
	[tilespmem:$0x1F400] =	vst v63  }
0x3e: {  	s21 =	simm.s32 $0x578  }
0x3f: {  	[tilespmem:s7], [sflag:$0x8] =	stream.indirect.gather [hbm4b:s3+s24], $0x40, s21, s24, $0xb8;
	[tilespmem:$0x1F400] =	vst v63  }
0x40: {  	_ =	swait.ge [sflag:s8], $0x3200  }
0x41: {  	[sflag:s8] =	ssyncset.done $0x0  }
0x42: {  	s22 =	rddreg [dreg:$0x7];
	[sflag:s8] =	ssyncadd.s32 $0xFFFFCE00  }
0x43: {  	[hbm4b:s22+s2] =	stream.linear.scatter [tilespmem:s31], [sflag:$0xC], $0x3200, $0x38;
	[tilespmem:$0x1F400] =	vst v63  }
0x44: {  	_ =	swait.ge [sflag:s9], $0x3200  }
0x45: {  	[sflag:s9] =	ssyncset.done $0x0  }
0x46: {  	s23 =	simm.s32 $0x640;
	[sflag:s9] =	ssyncadd.s32 $0xFFFFCE00  }
0x47: {  	[tilespmem:s25], [sflag:$0x1] =	stream.indirect.gather [hbm4b:s3+s24], $0x40, s23, s24, $0xb8;
	[tilespmem:$0x1F400] =	vst v63  }
0x48: {  	_ =	swait.ge [sflag:s10], $0x3200  }
0x49: {  	[sflag:s10] =	ssyncset.done $0x0  }
0x4a: {  	s21 =	rddreg [dreg:$0x8];
	[sflag:s10] =	ssyncadd.s32 $0xFFFFCE00  }
0x4b: {  	[hbm4b:s21+s2] =	stream.linear.scatter [tilespmem:s0], [sflag:$0xD], $0x3200, $0x38;
	[tilespmem:$0x1F400] =	vst v63  }
0x4c: {  	_ =	swait.ge [sflag:s11], $0x3200  }
0x4d: {  	[sflag:s11] =	ssyncset.done $0x0  }
0x4e: {  	s22 =	simm.s32 $0x708;
	[sflag:s11] =	ssyncadd.s32 $0xFFFFCE00  }
0x4f: {  	[tilespmem:s26], [sflag:$0x2] =	stream.indirect.gather [hbm4b:s3+s24], $0x40, s22, s24, $0xb8;
	[tilespmem:$0x1F400] =	vst v63  }
0x50: {  	_ =	swait.ge [sflag:s12], $0x3200  }
0x51: {  	[sflag:s12] =	ssyncset.done $0x0  }
0x52: {  	s23 =	rddreg [dreg:$0x9];
	[sflag:s12] =	ssyncadd.s32 $0xFFFFCE00  }
0x53: {  	[hbm4b:s23+s2] =	stream.linear.scatter [tilespmem:s1], [sflag:$0xE], $0x3200, $0x38;
	[tilespmem:$0x1F400] =	vst v63  }
0x54: {  	_ =	swait.ge [sflag:s13], $0x3200  }
0x55: {  	[sflag:s13] =	ssyncset.done $0x0  }
0x56: {  	s21 =	simm.s32 $0x7D0;
	[sflag:s13] =	ssyncadd.s32 $0xFFFFCE00  }
0x57: {  	[tilespmem:s29], [sflag:$0x3] =	stream.indirect.gather [hbm4b:s3+s24], $0x40, s21, s24, $0xb8;
	[tilespmem:$0x1F400] =	vst v63  }
0x58: {  	_ =	swait.ge [sflag:s14], $0x3200  }
0x59: {  	[sflag:s14] =	ssyncset.done $0x0  }
0x5a: {  	s22 =	rddreg [dreg:$0xa];
	[sflag:s14] =	ssyncadd.s32 $0xFFFFCE00  }
0x5b: {  	[hbm4b:s22+s2] =	stream.linear.scatter [tilespmem:s5], [sflag:$0xF], $0x3200, $0x38;
	[tilespmem:$0x1F400] =	vst v63  }
0x5c: {  	_ =	swait.ge [sflag:s15], $0x3200  }
0x5d: {  	[sflag:s15] =	ssyncset.done $0x0  }
0x5e: {  	s23 =	simm.s32 $0x898;
	[sflag:s15] =	ssyncadd.s32 $0xFFFFCE00  }
0x5f: {  	[tilespmem:s31], [sflag:$0x4] =	stream.indirect.gather [hbm4b:s3+s24], $0x40, s23, s24, $0xb8;
	[tilespmem:$0x1F400] =	vst v63  }
0x60: {  	_ =	swait.ge [sflag:s16], $0x3200  }
0x61: {  	[sflag:s16] =	ssyncset.done $0x0  }
0x62: {  	s21 =	rddreg [dreg:$0xb];
	[sflag:s16] =	ssyncadd.s32 $0xFFFFCE00  }
0x63: {  	[hbm4b:s21+s2] =	stream.linear.scatter [tilespmem:s7], [sflag:$0x10], $0x3200, $0x38;
	[tilespmem:$0x1F400] =	vst v63  }
0x64: {  	_ =	swait.ge [sflag:s17], $0x3200  }
0x65: {  	[sflag:s17] =	ssyncset.done $0x0  }
0x66: {  	s22 =	simm.s32 $0x960;
	[sflag:s17] =	ssyncadd.s32 $0xFFFFCE00  }
0x67: {  	[tilespmem:s0], [sflag:$0x5] =	stream.indirect.gather [hbm4b:s3+s24], $0x40, s22, s24, $0xb8;
	[tilespmem:$0x1F400] =	vst v63  }
0x68: {  	_ =	swait.ge [sflag:s28], $0x3200  }
0x69: {  	[sflag:s28] =	ssyncset.done $0x0  }
0x6a: {  	s22 =	rddreg [dreg:$0x15];
	[sflag:s28] =	ssyncadd.s32 $0xFFFFCE00  }
0x6b: {  	[hbm4b:s22+s2] =	stream.linear.scatter [tilespmem:s25], [sflag:$0x9], $0x3200, $0x38;
	[tilespmem:$0x1F400] =	vst v63  }
0x6c: {  	_ =	swait.ge [sflag:s18], $0x3200  }
0x6d: {  	[sflag:s18] =	ssyncset.done $0x0  }
0x6e: {  	s23 =	simm.s32 $0xA28;
	[sflag:s18] =	ssyncadd.s32 $0xFFFFCE00  }
0x6f: {  	[tilespmem:s1], [sflag:$0x6] =	stream.indirect.gather [hbm4b:s3+s24], $0x40, s23, s24, $0xb8;
	[tilespmem:$0x1F400] =	vst v63  }
0x70: {  	_ =	swait.ge [sflag:s30], $0x3200  }
0x71: {  	[sflag:s30] =	ssyncset.done $0x0  }
0x72: {  	s21 =	sadd.s32 $0x640, s22;
	[sflag:s30] =	ssyncadd.s32 $0xFFFFCE00  }
0x73: {  	[hbm4b:s21+s2] =	stream.linear.scatter [tilespmem:s26], [sflag:$0xA], $0x3200, $0x38;
	[tilespmem:$0x1F400] =	vst v63  }
0x74: {  	_ =	swait.ge [sflag:s19], $0x3200  }
0x75: {  	[sflag:s19] =	ssyncset.done $0x0  }
0x76: {  	s23 =	simm.s32 $0xAF0;
	[sflag:s19] =	ssyncadd.s32 $0xFFFFCE00  }
0x77: {  	[tilespmem:s5], [sflag:$0x7] =	stream.indirect.gather [hbm4b:s3+s24], $0x40, s23, s24, $0xb8;
	[tilespmem:$0x1F400] =	vst v63  }
0x78: {  	_ =	swait.ge [sflag:s6], $0x3200  }
0x79: {  	[sflag:s6] =	ssyncset.done $0x0  }
0x7a: {  	s21 =	sadd.s32 $0xC80, s22;
	[sflag:s6] =	ssyncadd.s32 $0xFFFFCE00  }
0x7b: {  	[hbm4b:s21+s2] =	stream.linear.scatter [tilespmem:s29], [sflag:$0xB], $0x3200, $0x38;
	[tilespmem:$0x1F400] =	vst v63  }
0x7c: {  	_ =	swait.ge [sflag:s20], $0x3200  }
0x7d: {  	[sflag:s20] =	ssyncset.done $0x0  }
0x7e: {  	s23 =	simm.s32 $0xBB8;
	[sflag:s20] =	ssyncadd.s32 $0xFFFFCE00  }
0x7f: {  	[tilespmem:s7], [sflag:$0x8] =	stream.indirect.gather [hbm4b:s3+s24], $0x40, s23, s24, $0xb8;
	[tilespmem:$0x1F400] =	vst v63  }
0x80: {  	_ =	swait.ge [sflag:s8], $0x3200  }
0x81: {  	[sflag:s8] =	ssyncset.done $0x0  }
0x82: {  	s21 =	sadd.s32 $0x12C0, s22;
	[sflag:s8] =	ssyncadd.s32 $0xFFFFCE00  }
0x83: {  	[hbm4b:s21+s2] =	stream.linear.scatter [tilespmem:s31], [sflag:$0xC], $0x3200, $0x38;
	[tilespmem:$0x1F400] =	vst v63  }
0x84: {  	_ =	swait.ge [sflag:s9], $0x3200  }
0x85: {  	[sflag:s9] =	ssyncset.done $0x0  }
0x86: {  	s23 =	simm.s32 $0xC80;
	[sflag:s9] =	ssyncadd.s32 $0xFFFFCE00  }
0x87: {  	[tilespmem:s25], [sflag:$0x1] =	stream.indirect.gather [hbm4b:s3+s24], $0x40, s23, s24, $0xb8;
	[tilespmem:$0x1F400] =	vst v63  }
0x88: {  	_ =	swait.ge [sflag:s10], $0x3200  }
0x89: {  	[sflag:s10] =	ssyncset.done $0x0  }
0x8a: {  	s21 =	sadd.s32 $0x1900, s22;
	[sflag:s10] =	ssyncadd.s32 $0xFFFFCE00  }
0x8b: {  	[hbm4b:s21+s2] =	stream.linear.scatter [tilespmem:s0], [sflag:$0xD], $0x3200, $0x38;
	[tilespmem:$0x1F400] =	vst v63  }
0x8c: {  	_ =	swait.ge [sflag:s11], $0x3200  }
0x8d: {  	[sflag:s11] =	ssyncset.done $0x0  }
0x8e: {  	s23 =	simm.s32 $0xD48;
	[sflag:s11] =	ssyncadd.s32 $0xFFFFCE00  }
0x8f: {  	[tilespmem:s26], [sflag:$0x2] =	stream.indirect.gather [hbm4b:s3+s24], $0x40, s23, s24, $0xb8;
	[tilespmem:$0x1F400] =	vst v63  }
0x90: {  	_ =	swait.ge [sflag:s12], $0x3200  }
0x91: {  	[sflag:s12] =	ssyncset.done $0x0  }
0x92: {  	s21 =	sadd.s32 $0x1F40, s22;
	[sflag:s12] =	ssyncadd.s32 $0xFFFFCE00  }
0x93: {  	[hbm4b:s21+s2] =	stream.linear.scatter [tilespmem:s1], [sflag:$0xE], $0x3200, $0x38;
	[tilespmem:$0x1F400] =	vst v63  }
0x94: {  	_ =	swait.ge [sflag:s13], $0x3200  }
0x95: {  	[sflag:s13] =	ssyncset.done $0x0  }
0x96: {  	s23 =	simm.s32 $0xE10;
	[sflag:s13] =	ssyncadd.s32 $0xFFFFCE00  }
0x97: {  	[tilespmem:s29], [sflag:$0x3] =	stream.indirect.gather [hbm4b:s3+s24], $0x40, s23, s24, $0xb8;
	[tilespmem:$0x1F400] =	vst v63  }
0x98: {  	_ =	swait.ge [sflag:s14], $0x3200  }
0x99: {  	[sflag:s14] =	ssyncset.done $0x0  }
0x9a: {  	s21 =	sadd.s32 $0x2580, s22;
	[sflag:s14] =	ssyncadd.s32 $0xFFFFCE00  }
0x9b: {  	[hbm4b:s21+s2] =	stream.linear.scatter [tilespmem:s5], [sflag:$0xF], $0x3200, $0x38;
	[tilespmem:$0x1F400] =	vst v63  }
0x9c: {  	_ =	swait.ge [sflag:s15], $0x3200  }
0x9d: {  	[sflag:s15] =	ssyncset.done $0x0  }
0x9e: {  	s23 =	simm.s32 $0xED8;
	[sflag:s15] =	ssyncadd.s32 $0xFFFFCE00  }
0x9f: {  	[tilespmem:s31], [sflag:$0x4] =	stream.indirect.gather [hbm4b:s3+s24], $0x40, s23, s24, $0xb8;
	[tilespmem:$0x1F400] =	vst v63  }
0xa0: {  	_ =	swait.ge [sflag:s16], $0x3200  }
0xa1: {  	s4 =	simm.s32 $0x1900;
	[sflag:s16] =	ssyncset.done $0x0  }
0xa2: {  	s21 =	sadd.s32 $0x2BC0, s22;
	s23 =	sadd.s32 $0x3200, s22;
	[sflag:s16] =	ssyncadd.s32 $0xFFFFCE00  }
.LBB2_2:
0xa3: {  	[hbm4b:s21+s2] =	stream.linear.scatter [tilespmem:s7], [sflag:$0x10], $0x3200, $0x38;
	[tilespmem:$0x1F400] =	vst v63  }
0xa4: {  	s21 =	smov.u32 s4  }
0xa5: {  	p0 =	sne.s32 s4, $0x14500;
	s4 =	sadd.s32 $0x1900, s4;
	_ =	swait.ge [sflag:s17], $0x3200  }
0xa6: {  	s21 =	sshra.s32 s21, $0x2;
	[sflag:s17] =	ssyncset.done $0x0  }
0xa7: {  	s22 =	sadd.s32 $0x960, s21;
	[sflag:s17] =	ssyncadd.s32 $0xFFFFCE00  }
0xa8: {  	[tilespmem:s0], [sflag:$0x5] =	stream.indirect.gather [hbm4b:s3+s24], $0x40, s22, s24, $0xb8;
	[tilespmem:$0x1F400] =	vst v63  }
0xa9: {  	_ =	swait.ge [sflag:s28], $0x3200  }
0xaa: {  	[sflag:s28] =	ssyncset.done $0x0  }
0xab: {  	[sflag:s28] =	ssyncadd.s32 $0xFFFFCE00  }
0xac: {  	[hbm4b:s23+s2] =	stream.linear.scatter [tilespmem:s25], [sflag:$0x9], $0x3200, $0x38;
	[tilespmem:$0x1F400] =	vst v63  }
0xad: {  	_ =	swait.ge [sflag:s18], $0x3200  }
0xae: {  	[sflag:s18] =	ssyncset.done $0x0  }
0xaf: {  	s22 =	sadd.s32 $0xA28, s21;
	[sflag:s18] =	ssyncadd.s32 $0xFFFFCE00  }
0xb0: {  	[tilespmem:s1], [sflag:$0x6] =	stream.indirect.gather [hbm4b:s3+s24], $0x40, s22, s24, $0xb8;
	[tilespmem:$0x1F400] =	vst v63  }
0xb1: {  	_ =	swait.ge [sflag:s30], $0x3200  }
0xb2: {  	[sflag:s30] =	ssyncset.done $0x0  }
0xb3: {  	s22 =	sadd.s32 $0x640, s23;
	[sflag:s30] =	ssyncadd.s32 $0xFFFFCE00  }
0xb4: {  	[hbm4b:s22+s2] =	stream.linear.scatter [tilespmem:s26], [sflag:$0xA], $0x3200, $0x38;
	[tilespmem:$0x1F400] =	vst v63  }
0xb5: {  	_ =	swait.ge [sflag:s19], $0x3200  }
0xb6: {  	[sflag:s19] =	ssyncset.done $0x0  }
0xb7: {  	s22 =	sadd.s32 $0xAF0, s21;
	[sflag:s19] =	ssyncadd.s32 $0xFFFFCE00  }
0xb8: {  	[tilespmem:s5], [sflag:$0x7] =	stream.indirect.gather [hbm4b:s3+s24], $0x40, s22, s24, $0xb8;
	[tilespmem:$0x1F400] =	vst v63  }
0xb9: {  	_ =	swait.ge [sflag:s6], $0x3200  }
0xba: {  	[sflag:s6] =	ssyncset.done $0x0  }
0xbb: {  	s22 =	sadd.s32 $0xC80, s23;
	[sflag:s6] =	ssyncadd.s32 $0xFFFFCE00  }
0xbc: {  	[hbm4b:s22+s2] =	stream.linear.scatter [tilespmem:s29], [sflag:$0xB], $0x3200, $0x38;
	[tilespmem:$0x1F400] =	vst v63  }
0xbd: {  	_ =	swait.ge [sflag:s20], $0x3200  }
0xbe: {  	[sflag:s20] =	ssyncset.done $0x0  }
0xbf: {  	s22 =	sadd.s32 $0xBB8, s21;
	[sflag:s20] =	ssyncadd.s32 $0xFFFFCE00  }
0xc0: {  	[tilespmem:s7], [sflag:$0x8] =	stream.indirect.gather [hbm4b:s3+s24], $0x40, s22, s24, $0xb8;
	[tilespmem:$0x1F400] =	vst v63  }
0xc1: {  	_ =	swait.ge [sflag:s8], $0x3200  }
0xc2: {  	[sflag:s8] =	ssyncset.done $0x0  }
0xc3: {  	s22 =	sadd.s32 $0x12C0, s23;
	[sflag:s8] =	ssyncadd.s32 $0xFFFFCE00  }
0xc4: {  	[hbm4b:s22+s2] =	stream.linear.scatter [tilespmem:s31], [sflag:$0xC], $0x3200, $0x38;
	[tilespmem:$0x1F400] =	vst v63  }
0xc5: {  	_ =	swait.ge [sflag:s9], $0x3200  }
0xc6: {  	[sflag:s9] =	ssyncset.done $0x0  }
0xc7: {  	s22 =	sadd.s32 $0xC80, s21;
	[sflag:s9] =	ssyncadd.s32 $0xFFFFCE00  }
0xc8: {  	[tilespmem:s25], [sflag:$0x1] =	stream.indirect.gather [hbm4b:s3+s24], $0x40, s22, s24, $0xb8;
	[tilespmem:$0x1F400] =	vst v63  }
0xc9: {  	_ =	swait.ge [sflag:s10], $0x3200  }
0xca: {  	[sflag:s10] =	ssyncset.done $0x0  }
0xcb: {  	s22 =	sadd.s32 $0x1900, s23;
	[sflag:s10] =	ssyncadd.s32 $0xFFFFCE00  }
0xcc: {  	[hbm4b:s22+s2] =	stream.linear.scatter [tilespmem:s0], [sflag:$0xD], $0x3200, $0x38;
	[tilespmem:$0x1F400] =	vst v63  }
0xcd: {  	_ =	swait.ge [sflag:s11], $0x3200  }
0xce: {  	[sflag:s11] =	ssyncset.done $0x0  }
0xcf: {  	s22 =	sadd.s32 $0xD48, s21;
	[sflag:s11] =	ssyncadd.s32 $0xFFFFCE00  }
0xd0: {  	[tilespmem:s26], [sflag:$0x2] =	stream.indirect.gather [hbm4b:s3+s24], $0x40, s22, s24, $0xb8;
	[tilespmem:$0x1F400] =	vst v63  }
0xd1: {  	_ =	swait.ge [sflag:s12], $0x3200  }
0xd2: {  	[sflag:s12] =	ssyncset.done $0x0  }
0xd3: {  	s22 =	sadd.s32 $0x1F40, s23;
	[sflag:s12] =	ssyncadd.s32 $0xFFFFCE00  }
0xd4: {  	[hbm4b:s22+s2] =	stream.linear.scatter [tilespmem:s1], [sflag:$0xE], $0x3200, $0x38;
	[tilespmem:$0x1F400] =	vst v63  }
0xd5: {  	_ =	swait.ge [sflag:s13], $0x3200  }
0xd6: {  	[sflag:s13] =	ssyncset.done $0x0  }
0xd7: {  	s22 =	sadd.s32 $0xE10, s21;
	[sflag:s13] =	ssyncadd.s32 $0xFFFFCE00  }
0xd8: {  	[tilespmem:s29], [sflag:$0x3] =	stream.indirect.gather [hbm4b:s3+s24], $0x40, s22, s24, $0xb8;
	[tilespmem:$0x1F400] =	vst v63  }
0xd9: {  	_ =	swait.ge [sflag:s14], $0x3200  }
0xda: {  	[sflag:s14] =	ssyncset.done $0x0  }
0xdb: {  	s22 =	sadd.s32 $0x2580, s23;
	[sflag:s14] =	ssyncadd.s32 $0xFFFFCE00  }
0xdc: {  	[hbm4b:s22+s2] =	stream.linear.scatter [tilespmem:s5], [sflag:$0xF], $0x3200, $0x38;
	[tilespmem:$0x1F400] =	vst v63  }
0xdd: {  	_ =	swait.ge [sflag:s15], $0x3200  }
0xde: {  	[sflag:s15] =	ssyncset.done $0x0  }
.Ltmp0:
0xdf: {  	s21 =	sadd.s32 $0xED8, s21;
	[sflag:s15] =	ssyncadd.s32 $0xFFFFCE00;
	(pc) =	sbr.rel @p0 .LBB2_2-.Ltmp0, $4  }
0xe0: {  	[tilespmem:s31], [sflag:$0x4] =	stream.indirect.gather [hbm4b:s3+s24], $0x40, s21, s24, $0xb8;
	[tilespmem:$0x1F400] =	vst v63  }
0xe1: {  	_ =	swait.ge [sflag:s16], $0x3200  }
0xe2: {  	[sflag:s16] =	ssyncset.done $0x0  }
0xe3: {  	s21 =	sadd.s32 $0x2BC0, s23;
	s23 =	sadd.s32 $0x3200, s23;
	[sflag:s16] =	ssyncadd.s32 $0xFFFFCE00  }
0xe4: {  	[hbm4b:s21+s2] =	stream.linear.scatter [tilespmem:s7], [sflag:$0x10], $0x3200, $0x38;
	[tilespmem:$0x1F400] =	vst v63  }
0xe5: {  	_ =	swait.ge [sflag:s17], $0x3200  }
0xe6: {  	[sflag:s17] =	ssyncset.done $0x0  }
0xe7: {  	s4 =	simm.s32 $0x60E0;
	[sflag:s17] =	ssyncadd.s32 $0xFFFFCE00  }
0xe8: {  	[tilespmem:s0], [sflag:$0x5] =	stream.indirect.gather [hbm4b:s3+s24], $0x40, s4, s24, $0xb8;
	[tilespmem:$0x1F400] =	vst v63  }
0xe9: {  	_ =	swait.ge [sflag:s28], $0x3200  }
0xea: {  	[sflag:s28] =	ssyncset.done $0x0  }
0xeb: {  	s23 =	rddreg [dreg:$0xc];
	[sflag:s28] =	ssyncadd.s32 $0xFFFFCE00  }
0xec: {  	[hbm4b:s23+s2] =	stream.linear.scatter [tilespmem:s25], [sflag:$0x9], $0x3200, $0x38;
	[tilespmem:$0x1F400] =	vst v63  }
0xed: {  	_ =	swait.ge [sflag:s18], $0x3200  }
0xee: {  	[sflag:s18] =	ssyncset.done $0x0  }
0xef: {  	s21 =	simm.s32 $0x61A8;
	[sflag:s18] =	ssyncadd.s32 $0xFFFFCE00  }
0xf0: {  	[tilespmem:s1], [sflag:$0x6] =	stream.indirect.gather [hbm4b:s3+s24], $0x40, s21, s24, $0xb8;
	[tilespmem:$0x1F400] =	vst v63  }
0xf1: {  	_ =	swait.ge [sflag:s30], $0x3200  }
0xf2: {  	[sflag:s30] =	ssyncset.done $0x0  }
0xf3: {  	s22 =	rddreg [dreg:$0xd];
	[sflag:s30] =	ssyncadd.s32 $0xFFFFCE00  }
0xf4: {  	[hbm4b:s22+s2] =	stream.linear.scatter [tilespmem:s26], [sflag:$0xA], $0x3200, $0x38;
	[tilespmem:$0x1F400] =	vst v63  }
0xf5: {  	_ =	swait.ge [sflag:s19], $0x3200  }
0xf6: {  	[sflag:s19] =	ssyncset.done $0x0  }
0xf7: {  	s23 =	simm.s32 $0x6270;
	[sflag:s19] =	ssyncadd.s32 $0xFFFFCE00  }
0xf8: {  	[tilespmem:s5], [sflag:$0x7] =	stream.indirect.gather [hbm4b:s3+s24], $0x40, s23, s24, $0xb8;
	[tilespmem:$0x1F400] =	vst v63  }
0xf9: {  	_ =	swait.ge [sflag:s6], $0x3200  }
0xfa: {  	[sflag:s6] =	ssyncset.done $0x0  }
0xfb: {  	s21 =	rddreg [dreg:$0xe];
	[sflag:s6] =	ssyncadd.s32 $0xFFFFCE00  }
0xfc: {  	[hbm4b:s21+s2] =	stream.linear.scatter [tilespmem:s29], [sflag:$0xB], $0x3200, $0x38;
	[tilespmem:$0x1F400] =	vst v63  }
0xfd: {  	_ =	swait.ge [sflag:s20], $0x3200  }
0xfe: {  	[sflag:s20] =	ssyncset.done $0x0  }
0xff: {  	s22 =	simm.s32 $0x6338;
	[sflag:s20] =	ssyncadd.s32 $0xFFFFCE00  }
0x100: {  	[tilespmem:s7], [sflag:$0x8] =	stream.indirect.gather [hbm4b:s3+s24], $0x40, s22, s24, $0xb8;
	[tilespmem:$0x1F400] =	vst v63  }
0x101: {  	_ =	swait.ge [sflag:s8], $0x3200  }
0x102: {  	[sflag:s8] =	ssyncset.done $0x0  }
0x103: {  	s23 =	rddreg [dreg:$0xf];
	[sflag:s8] =	ssyncadd.s32 $0xFFFFCE00  }
0x104: {  	[hbm4b:s23+s2] =	stream.linear.scatter [tilespmem:s31], [sflag:$0xC], $0x3200, $0x38;
	[tilespmem:$0x1F400] =	vst v63  }
0x105: {  	_ =	swait.ge [sflag:s10], $0x3200  }
0x106: {  	[sflag:s10] =	ssyncset.done $0x0  }
0x107: {  	s21 =	rddreg [dreg:$0x10];
	[sflag:s10] =	ssyncadd.s32 $0xFFFFCE00  }
0x108: {  	[hbm4b:s21+s2] =	stream.linear.scatter [tilespmem:s0], [sflag:$0xD], $0x3200, $0x38;
	[tilespmem:$0x1F400] =	vst v63  }
0x109: {  	_ =	swait.ge [sflag:s12], $0x3200  }
0x10a: {  	[sflag:s12] =	ssyncset.done $0x0  }
0x10b: {  	s22 =	rddreg [dreg:$0x11];
	[sflag:s12] =	ssyncadd.s32 $0xFFFFCE00  }
0x10c: {  	[hbm4b:s22+s2] =	stream.linear.scatter [tilespmem:s1], [sflag:$0xE], $0x3200, $0x38;
	[tilespmem:$0x1F400] =	vst v63  }
0x10d: {  	_ =	swait.ge [sflag:s14], $0x3200  }
0x10e: {  	[sflag:s14] =	ssyncset.done $0x0  }
0x10f: {  	s23 =	rddreg [dreg:$0x12];
	[sflag:s14] =	ssyncadd.s32 $0xFFFFCE00  }
0x110: {  	[hbm4b:s23+s2] =	stream.linear.scatter [tilespmem:s5], [sflag:$0xF], $0x3200, $0x38;
	[tilespmem:$0x1F400] =	vst v63  }
0x111: {  	_ =	swait.ge [sflag:s16], $0x3200  }
0x112: {  	[sflag:s16] =	ssyncset.done $0x0  }
0x113: {  	s21 =	rddreg [dreg:$0x13];
	[sflag:s16] =	ssyncadd.s32 $0xFFFFCE00  }
0x114: {  	[hbm4b:s21+s2] =	stream.linear.scatter [tilespmem:s7], [sflag:$0x10], $0x3200, $0x38;
	[tilespmem:$0x1F400] =	vst v63  }
0x115: {  	_ =	swait.ge [sflag:s9], $0x3200  }
0x116: {  	[sflag:s9] =	ssyncset.done $0x0  }
0x117: {  	[sflag:s9] =	ssyncadd.s32 $0xFFFFCE00  }
0x118: {  	_ =	swait.ge [sflag:s11], $0x3200  }
0x119: {  	[sflag:s11] =	ssyncset.done $0x0  }
0x11a: {  	[sflag:s11] =	ssyncadd.s32 $0xFFFFCE00  }
0x11b: {  	_ =	swait.ge [sflag:s13], $0x3200  }
0x11c: {  	[sflag:s13] =	ssyncset.done $0x0  }
0x11d: {  	[sflag:s13] =	ssyncadd.s32 $0xFFFFCE00  }
0x11e: {  	_ =	swait.ge [sflag:s15], $0x3200  }
0x11f: {  	[sflag:s15] =	ssyncset.done $0x0  }
0x120: {  	[sflag:s15] =	ssyncadd.s32 $0xFFFFCE00  }
0x121: {  	_ =	swait.ge [sflag:s17], $0x3200  }
0x122: {  	[sflag:s17] =	ssyncset.done $0x0  }
0x123: {  	[sflag:s17] =	ssyncadd.s32 $0xFFFFCE00  }
0x124: {  	_ =	swait.ge [sflag:s18], $0x3200  }
0x125: {  	[sflag:s18] =	ssyncset.done $0x0  }
0x126: {  	[sflag:s18] =	ssyncadd.s32 $0xFFFFCE00  }
0x127: {  	_ =	swait.ge [sflag:s19], $0x3200  }
0x128: {  	[sflag:s19] =	ssyncset.done $0x0  }
0x129: {  	[sflag:s19] =	ssyncadd.s32 $0xFFFFCE00  }
0x12a: {  	_ =	swait.ge [sflag:s20], $0x3200  }
0x12b: {  	s22 =	rddreg [dreg:$0x16]  }
0x12c: {  	s23 =	rddreg [dreg:$0x14];
	s21 =	sadd.s32 $0x1, s22  }
0x12d: {  	p0 =	sne.s32 s21, s23  }
.Ltmp1:
0x12e: {  	_ = 	snop;
	(pc) =	sbr.rel @p0 .LBB2_1-.Ltmp1, $3  }
0x12f: {  	_ =	sdelay $0x1  }
0x130: {  	[sflag:s20] =	ssyncset.done $0x0  }
0x131: {  	[sflag:s20] =	ssyncadd.s32 $0xFFFFCE00  }
0x132: {  	_ =	sfence.sel $0x180000  }
0x133: {  	[bflag:$0x0] =	sbarrier.arrive $0xFFFF  }
0x134: {  	_ =	strace $0x90000047  }
0x135: {  	s0 =	stileid.u32;
	[bflag:$0x2] =	sbarrier.arrive $0xFFFF  }
0x136: {  	p0 =	sne.s32 s0, $0x0;
	s0 =	rddreg [dreg:$0x2]  }
0x137: {  	s0 =	sadd.s32 @!p0 $0x100000, s0  }
0x138: {  	[sflag:s0] =	ssyncadd.tile.s32 @!p0 $0x1;
	_ =	shalt  }
.Lfunc_end2:
_tile_overlayer_lowered:
.L_overlay_start_2:
0x139: {  	(tag) =	ssettag $0x2  }
0x13a: {  	s0 =	rddreg [dreg:$0x0];
	s2 =	stileid.u32  }
0x13b: {  	s1 =	rddreg [dreg:$0x1];
	p0 =	sne.s32 s2, $0x0  }
0x13c: {  	s3 =	rddreg [dreg:$0x2];
	[bflag:$0x3] =	sbarrier.arrive $0xFFFF;
	s2 =	simm.s32 @!p0 $0x1C11  }
0x13d: {  	[timem:s3], [sflag:s2] =	dma.local @!p0 [hbm:s0], s1  }
0x13e: {  	s0 =	simm.s32 @!p0 $0x11  }
0x13f: {  	_ =	swait.ge @!p0 [sflag:s0], s1  }
0x140: {  	s1 =	ssub.s32 @!p0 $0x0, s1;
	[sflag:s0] =	ssyncset.done @!p0 $0x0  }
0x141: {  	[sflag:s0] =	ssyncadd.s32 @!p0 s1  }
0x142: {  	[bflag:$0x3] =	sbarrier.arrive $0xFFFF  }
0x143: {  	_ =	shalt  }

// kernel: sparse-core-data-format-call.cloned.1.call-start
scs
called_computation_lowered:
.L_overlay_start_0:
0x0: {  	s2 =	sld [smem:$0x3FD9]  }
0x1: {  	s3 =	sld [smem:$0x3FFE];
	_ =	sdelay $0x1  }
0x2: {  	s1 =	srdreg.scid  }
0x3: {  	s0 =	sand.u32 $0x1, s1  }
0x4: {  	s18 =	sshll.u32 s0, $0xA;
	s2 =	sadd.s32 s3, s2  }
0x5: {  	s2 =	sadd.s32 s2, s18  }
0x6: {  	[smem:$0x3FC6] =	sst s2  }
0x7: {  	_ = 	snop  }
0x8: {  	s2 =	sld [smem:$0x3FD0];
	(tm) =	ssettm $0x1  }
0x9: {  	s19 =	sld [smem:$0x3FFB];
	_ =	sdelay $0x3  }
0xa: {  	_ =	strace s19  }
0xb: {  	s3 =	sld [smem:$0x3FFC];
	_ =	sdelay $0x3  }
0xc: {  	_ =	strace s3  }
0xd: {  	s3 =	sld [smem:$0x3FFD];
	_ =	sdelay $0x3  }
0xe: {  	_ =	strace s3  }
0xf: {  	_ =	strace $0x8FFFFFFF  }
0x10: {  	s20 =	sld [smem:$0x3FDB];
	_ =	sdelay $0x1  }
0x11: {  	s4 =	simm.s32 $_scs_section_size  }
0x12: {  	s5 =	simm.s32 $_size__tile_overlayer_lowered;
	s6 =	simm.s32 $_tile_overlayer_lowered  }
0x13: {  	s23 =	simm.s32 $0x1BFF;
	s22 =	sshll.u32 s6, $0x1;
	s3 =	sadd.s32 s4, s20  }
0x14: {  	s7 =	simm.s32 $0x0;
	s21 =	sshll.u32 s5, $0x1;
	s5 =	sadd.s32 s22, s3  }
0x15: {  	[timem:s7], [sflag:s23] =	dma.local [hbm:s5], s21  }
0x16: {  	_ =	swait.ge [sflag:s23], s21  }
0x17: {  	s4 =	ssub.s32 $0x0, s21;
	[sflag:s23] =	ssyncset.done $0x0  }
0x18: {  	[sflag:s23] =	ssyncadd.s32 s4;
	_ =	sdelay $0x1  }
0x19: {  	s24 =	simm.s32 $0x1B8B  }
0x1a: {  	_ =	swait.ge [sflag:s24], $0x1  }
0x1b: {  	[sflag:s24] =	ssyncset.done $0x0  }
0x1c: {  	s26 =	simm.s32 $0x1B8E;
	s25 =	sld [smem:$0x3FFE];
	[sflag:s24] =	ssyncadd.s32 $0xFFFFFFFF  }
0x1d: {  	s27 =	simm.s32 $execute0_lowered;
	[smem:$0x3FD2] =	sst s26  }
0x1e: {  	s5 =	sshll.u32 s27, $0x1;
	_ =	strace $0x80000049;
	[dreg:$0x1] =	wrdreg $0xFFFFFFFF  }
0x1f: {  	s28 =	simm.s32 $_size_execute0_lowered;
	s3 =	sadd.s32 s3, s5;
	[dreg:$0x0] =	wrdreg $0x0  }
0x20: {  	s5 =	sshll.u32 s28, $0x1;
	[dreg:$0x2] =	wrdreg s3  }
0x21: {  	[dreg:$0x3] =	wrdreg s5  }
0x22: {  	[dreg:$0x4] =	wrdreg $0xC0  }
0x23: {  	_ =	task [dreg:s7], $0x5FFFF  }
0x24: {  	[dreg:$0x1] =	wrdreg $0xFFFFFFFF  }
0x25: {  	[dreg:$0x0] =	wrdreg $0x60  }
0x26: {  	[dreg:$0x2] =	wrdreg s25  }
0x27: {  	[dreg:$0x3] =	wrdreg s2  }
0x28: {  	[dreg:$0x4] =	wrdreg $0x9  }
0x29: {  	_ =	task.clear_ibuf [dreg:s7], $0x5FFFF;
	_ =	strace $0x90000049  }
0x2a: {  	s29 =	simm.s32 $0x9;
	_ =	strace $0x8000004B  }
0x2b: {  	_ =	swait.ge [sflag:s29], $0x1  }
0x2c: {  	[sflag:s29] =	ssyncadd.s32 $0xFFFFFFFF  }
0x2d: {  	_ =	strace $0x9000004B  }
0x2e: {  	_ =	sfence  }
0x2f: {  	s30 =	sld [smem:$0x0];
	_ =	sdelay $0x2  }
0x30: {  	s31 =	sshll.u32 s1, $0xD;
	s1 =	sshrl.u32 s1, $0x2  }
0x31: {  	s3 =	sand.u32 $0x4000, s31;
	s1 =	sadd.s32 s1, s30  }
0x32: {  	s0 =	sor.u32 s3, s0;
	s1 =	sshll.u32 s1, $0x11  }
0x33: {  	s0 =	sor.u32 s1, s0  }
0x34: {  	s0 =	sadd.s32 $0x8F2B, s0  }
0x35: {  	[sflag:s0] =	ssyncadd.remote.s32 $0x1  }
0x36: {  	_ =	sfence.sel $0xFFFF  }
0x37: {  	[dreg:$0x0] =	wrdreg $0xFFFFFFFF;
	(pc) =	sbr.abs _section_cstart, $3  }
0x38: {  	[dreg:$0x1] =	wrdreg $0xFFFFFFFF  }
0x39: {  	_ =	task.clear_ibuf [dreg:s7], $0x2FFFF;
	_ =	strace $0x9FFFFFFF  }
0x3a: {  	(tm) =	ssettm $0x7FFFFFFF  }
0x3b: {  	_ =	shalt  }
tec
execute0_lowered:
.L_overlay_start_1:
0x0: {  	(tag) =	ssettag $0x1  }
0x1: {  	s0 =	srdreg.scid  }
0x2: {  	s1 =	sshll.u32 s0, $0x4  }
0x3: {  	s0 =	stileid.u32;
	s1 =	sand.u32 $0x10, s1  }
0x4: {  	s1 =	sor.u32 s0, s1  }
0x5: {  	s6 =	rddreg [dreg:$0x0];
	s4 =	simm.s32 $0x1;
	s2 =	sshll.u32 s1, $0x7  }
0x6: {  	s7 =	simm.s32 $0x2;
	s12 =	simm.s32 $0x0;
	s1 =	ssub.s32 $0x1000, s2  }
0x7: {  	s8 =	simm.s32 $0x8000;
	s13 =	simm.s32 $0x0;
	s3 =	sand.u32 $0xF80, s1  }
0x8: {  	s9 =	simm.s32 $0x0;
	s5 =	sshrl.u32 s1, $0xC;
	p0 =	sne.s32 s3, $0x0  }
.Ltmp0:
0x9: {  	s1 =	rddreg [dreg:$0x2];
	s4 =	simm.s32 @!p0 $0x0;
	(pc) =	sbr.rel .LBB1_1-.Ltmp0, $4  }
0xa: {  	s11 =	simm.s32 $0x0;
	s3 =	rddreg [dreg:$0x1];
	s5 =	sadd.s32 s4, s5  }
0xb: {  	_ =	strace $0x8000004A;
	s4 =	simm.s32 $0x1;
	s5 =	smul.u32 $0xC8, s5  }
0xc: {  	s6 =	sadd.s32 $0xA00, s6;
	s10 =	smov.u32 s2;
	[sflag:s4] =	ssyncpa.u1 $0x0  }
0xd: {  	p0 =	por $0x0, $0x0;
	[sflag:s7] =	ssyncpa.u1 $0x0;
	s7 =	sor.u32 $0x1, s5  }
.LBB1_4:
0xe: {  	s16 =	sshll.u32 s13, $0x3;
	s17 =	sand.u32 $0x78, s13  }
0xf: {  	s30 =	sand.u32 $0x7E00, s13;
	s12 =	sshll.u32 s12, $0xF;
	s16 =	sand.u32 $0xC00, s16  }
0x10: {  	[tilespmem:s15+$0x810 ss:$0x81] =	vst.msk $0xffff, v2;
	s31 =	sand.u32 $0x7, s13;
	s16 =	sor.u32 s17, s16;
	s17 =	sadd.s32 s3, s30  }
0x11: {  	[tilespmem:s15+$0x1020 ss:$0x81] =	vst.msk $0xffff, v0;
	s13 =	sshll.u32 s31, $0x12;
	s12 =	sadd.s32 s12, s17;
	s16 =	sshrl.u32 s16, $0x3  }
0x12: {  	[tilespmem:s15+$0x0 ss:$0x81] =	vst.msk $0xffff, v1;
	s13 =	sor.u32 $0x400, s13;
	s12 =	sadd.s32 s16, s12  }
0x13: {  	[hbm4b:s12+s13] =	stream.strided.scatter [tilespmem:s14], [sflag:$0x2], $0x2000, s8, s13, $0x20;
	[tilespmem:$0x8080] =	vst v63  }
.LBB1_5:
0x14: {  	s14 =	sadd.s32 $0x1, s9  }
0x15: {  	s12 =	sadd.s32 $0x1000, s10;
	s16 =	smov.u32 s10;
	p2 =	sgt.s32 s14, $0xC7  }
0x16: {  	s16 =	smov.u32 @p2 s12  }
0x17: {  	s14 =	simm.s32 @p2 $0x0;
	p2 =	sgt.s32 s16, $0xFFF  }
0x18: {  	s16 =	smov.u32 @p2 s2;
	p2 =	sne.s32 s11, s7  }
.Ltmp1:
0x19: {  	p1 =	slt.u32 s11, $0x2;
	(pc) =	sbr.rel @!p2 .LBB1_6-.Ltmp1, $4  }
0x1a: {  	s15 =	simm.s32 @!p1 $0x2  }
0x1b: {  	s13 =	smov.u32 s10;
	p0 =	por !p0, !p0;
	_ =	swait.ge @!p1 [sflag:s15], $0x2000  }
0x1c: {  	s12 =	smov.u32 s9;
	[sflag:s15] =	ssyncset.done @!p1 $0x0;
	s9 =	smov.u32 s14  }
0x1d: {  	s11 =	sadd.s32 $0x1, s11;
	[sflag:s15] =	ssyncadd.s32 @!p1 $0xFFFFE000;
	s10 =	smov.u32 s16  }
.LBB1_1:
0x1e: {  	p1 =	sge.u32 s11, s5  }
0x1f: {  	s14 =	sand.u32 @!p1 $0x1FFFFFF, s9  }
0x20: {  	s15 =	smulhi.u32 @!p1 $0x147AE15, s14;
	_ =	sdelay $0x1  }
0x21: {  	s15 =	smul.u32 @!p1 $0xC8, s15  }
0x22: {  	s16 =	sxor.u32 @!p1 $0xFFFFFFFF, s11;
	s17 =	smul.u32 @!p1 $0xC80, s10  }
0x23: {  	s31 =	sadd.s32 $0xFFFFFFFF, s11;
	s16 =	sshll.u32 @!p1 s16, $0xD;
	s14 =	ssub.s32 @!p1 s14, s15  }
0x24: {  	s15 =	sand.u32 @!p1 $0x2000, s16;
	s16 =	sadd.s32 @!p1 s6, s17;
	s14 =	sshll.u32 @!p1 s14, $0x4  }
0x25: {  	s17 =	simm.s32 @!p1 $0x6400;
	s14 =	sadd.s32 @!p1 s14, s16;
	s16 =	simm.s32 @!p1 $0x40  }
0x26: {  	[tilespmem:s15], [sflag:$0x1] =	stream.strided.gather @!p1 [hbm4b:s14+s16], $0x2000, s17, s16, $0x38;
	[tilespmem:$0x8080] =	vst v63  }
0x27: {  	p1 =	sge.u32 s31, s5  }
.Ltmp2:
0x28: {  	_ = 	snop;
	(pc) =	sbr.rel @p1 .LBB1_5-.Ltmp2, $1  }
0x29: {  	_ =	sdelay $0x3  }
0x2a: {  	s14 =	simm.s32 $0x1  }
0x2b: {  	_ =	swait.ge [sflag:s4], $0x2000;
	s14 =	simm.s32 @!p0 $0x0  }
0x2c: {  	[sflag:s4] =	ssyncset.done $0x0;
	s15 =	sshll.u32 s14, $0xD  }
0x2d: {  	[sflag:s4] =	ssyncadd.s32 $0xFFFFE000;
	s18 =	sor.u32 $0x20, s15  }
0x2e: {  	s14 =	smul.u32 $0x8100, s14;
	v3 =	vld [tilespmem:s18+$0x10]  }
0x2f: {  	s30 =	sand.u32 $0x1, s11;
	v2 =	vld [tilespmem:s18+$0xFFFFFFF0]  }
0x30: {  	s15 =	smul.u32 $0x8100, s30;
	s14 =	sshrl.u32 s14, $0x2;
	v0 =	vld [tilespmem:s18+$0x0]  }
0x31: {  	v1 =	vld [tilespmem:s18+$0xFFFFFFE0];
	s16 =	sor.u32 $0x4000, s14  }
0x32: {  	s31 =	sshrl.u32 s15, $0x2;
	s15 =	sadd.s32 $0x0, s16  }
0x33: {  	s17 =	simm.s32 $0x4;
	s18 =	sadd.s32 $0x40, s18;
	s14 =	sor.u32 $0x4000, s31;
	[tilespmem:s15+$0x1830 ss:$0x81] =	vst.msk $0xffff, v3  }
.LBB1_3:
0x34: {  	v3 =	vld [tilespmem:s18+$0x10];
	p1 =	sne.s32 s17, $0x1FC;
	[tilespmem:s15+$0x810 ss:$0x81] =	vst.msk $0xffff, v2;
	s19 =	smov.u32 s17;
	s17 =	sadd.s32 $0x4, s17  }
.Ltmp3:
0x35: {  	v2 =	vld [tilespmem:s18+$0xFFFFFFF0];
	[tilespmem:s15+$0x1020 ss:$0x81] =	vst.msk $0xffff, v0;
	(pc) =	sbr.rel @p1 .LBB1_3-.Ltmp3, $4  }
0x36: {  	v0 =	vld [tilespmem:s18+$0x0];
	[tilespmem:s15+$0x0 ss:$0x81] =	vst.msk $0xffff, v1  }
0x37: {  	s15 =	sshra.s32 s19, $0x2;
	v1 =	vld [tilespmem:s18+$0xFFFFFFE0]  }
0x38: {  	s15 =	sadd.s32 s15, s16  }
0x39: {  	s18 =	sadd.s32 $0x40, s18;
	[tilespmem:s15+$0x1830 ss:$0x81] =	vst.msk $0xffff, v3  }
.Ltmp4:
0x3a: {  	_ = 	snop;
	(pc) =	sbr.rel .LBB1_4-.Ltmp4, $1  }
0x3b: {  	_ =	sdelay $0x3  }
.LBB1_6:
0x3c: {  	_ =	sfence.sel $0x180000  }
0x3d: {  	s2 =	simm.s32 $0x1;
	[bflag:$0x0] =	sbarrier.arrive $0xFFFF  }
0x3e: {  	s31 =	simm.s32 $0x2;
	[sflag:s2] =	ssyncpa.u1 $0x1  }
0x3f: {  	[sflag:s31] =	ssyncpa.u1 $0x1  }
0x40: {  	p0 =	sne.s32 s0, $0x0;
	_ =	strace $0x9000004A  }
0x41: {  	s0 =	sadd.s32 @!p0 $0x100000, s1;
	[bflag:$0x2] =	sbarrier.arrive $0xFFFF  }
0x42: {  	[sflag:s0] =	ssyncadd.tile.s32 @!p0 $0x1;
	_ =	shalt  }
.Lfunc_end1:
_tile_overlayer_lowered:
.L_overlay_start_2:
0x43: {  	(tag) =	ssettag $0x2  }
0x44: {  	s0 =	rddreg [dreg:$0x0];
	s2 =	stileid.u32  }
0x45: {  	s1 =	rddreg [dreg:$0x1];
	p0 =	sne.s32 s2, $0x0  }
0x46: {  	s3 =	rddreg [dreg:$0x2];
	[bflag:$0x3] =	sbarrier.arrive $0xFFFF;
	s2 =	simm.s32 @!p0 $0x1C01  }
0x47: {  	[timem:s3], [sflag:s2] =	dma.local @!p0 [hbm:s0], s1  }
0x48: {  	s0 =	simm.s32 @!p0 $0x1  }
0x49: {  	_ =	swait.ge @!p0 [sflag:s0], s1  }
0x4a: {  	s1 =	ssub.s32 @!p0 $0x0, s1;
	[sflag:s0] =	ssyncset.done @!p0 $0x0  }
0x4b: {  	[sflag:s0] =	ssyncadd.s32 @!p0 s1  }
0x4c: {  	[bflag:$0x3] =	sbarrier.arrive $0xFFFF  }
0x4d: {  	_ =	shalt  }

</sc_bundles>
